<compile_context>
chip_gen: v7x
topology: tpu7x:2x2x1
jax: 0.10.2.dev20260603
libtpu: 0.0.44.dev20260713+nightly
codegen_flags: <defaults>
</compile_context>

<pallas_src>
import functools

import jax
import jax.numpy as jnp
import numpy as np
from jax import lax
from jax.experimental import pallas as pl
from jax.experimental.pallas import tpu as pltpu
from jax.experimental.pallas import tpu_sc as plsc

_B = 8
_N = 4096
_S = 512
_K = 32
_SB = 128
_D = 128
_RAD2 = np.float32(0.2 ** 2)
_NW = 32
_CH = 128


def _fps_body(xs_ref, ys_ref, zs_ref, cx_ref, cy_ref, cz_ref):
    X = xs_ref[:]
    Y = ys_ref[:]
    Z = zs_ref[:]
    lane = lax.broadcasted_iota(jnp.int32, (_B, _N), 1)
    lane_s = lax.broadcasted_iota(jnp.int32, (_B, _S), 1)

    def step(i, carry):
        dist, f, ax, ay, az = carry
        m = lane == f
        cx = jnp.sum(jnp.where(m, X, 0.0), axis=1, keepdims=True)
        cy = jnp.sum(jnp.where(m, Y, 0.0), axis=1, keepdims=True)
        cz = jnp.sum(jnp.where(m, Z, 0.0), axis=1, keepdims=True)
        sel = lane_s == i
        ax = jnp.where(sel, cx, ax)
        ay = jnp.where(sel, cy, ay)
        az = jnp.where(sel, cz, az)
        dx = X - cx
        dy = Y - cy
        dz = Z - cz
        d = dx * dx + (dy * dy + dz * dz)
        dist = jnp.minimum(dist, d)
        mx = jnp.max(dist, axis=1, keepdims=True)
        f2 = jnp.min(jnp.where(dist == mx, lane, _N), axis=1, keepdims=True)
        return dist, f2, ax, ay, az

    dist0 = jnp.full((_B, _N), 1e10, jnp.float32)
    f0 = jnp.zeros((_B, 1), jnp.int32)
    z_s = jnp.zeros((_B, _S), jnp.float32)
    _, _, ax, ay, az = lax.fori_loop(0, _S, step, (dist0, f0, z_s, z_s, z_s))
    cx_ref[:] = ax
    cy_ref[:] = ay
    cz_ref[:] = az


def _fps_call(xs, ys, zs):
    out = jax.ShapeDtypeStruct((_B, _S), jnp.float32)
    return pl.pallas_call(
        _fps_body,
        out_shape=(out, out, out),
    )(xs, ys, zs)


def _seltc_body(nx_ref, xt_ref, gidx_ref, dm_ref):
    i = pl.program_id(0)
    nx = nx_ref[0]
    xt = xt_ref[0]
    mm = lax.dot_general(nx, xt, (((1,), (0,)), ((), ())),
                         preferred_element_type=jnp.float32)
    sx = nx[:, 0:1]
    sy = nx[:, 1:2]
    sz = nx[:, 2:3]
    sn = (sx * sx + sy * sy) + sz * sz
    dx = xt[0:1, :]
    dy = xt[1:2, :]
    dz = xt[2:3, :]
    dn = (dx * dx + dy * dy) + dz * dz
    d2 = (-2.0 * mm + sn) + dn
    dm_ref[:] = jnp.where(d2 <= _RAD2, d2, jnp.inf)

    ng = _SB // 8
    lane = lax.broadcasted_iota(jnp.int32, (8, _N), 1)
    kio = lax.broadcasted_iota(jnp.int32, (8, _K), 1)

    def kstep(k, carry):
        aidx, aval = carry
        naidx = []
        naval = []
        for g in range(ng):
            rows = dm_ref[g * 8:(g + 1) * 8, :]
            mn = jnp.min(rows, axis=1, keepdims=True)
            sel = jnp.min(jnp.where(rows == mn, lane, _N), axis=1,
                          keepdims=True)
            hit = kio == k
            naidx.append(jnp.where(hit, sel, aidx[g]))
            naval.append(jnp.where(hit, mn, aval[g]))
            dm_ref[g * 8:(g + 1) * 8, :] = jnp.where(lane == sel, jnp.inf,
                                                     rows)
        return naidx, naval

    z_i = [jnp.zeros((8, _K), jnp.int32)] * ng
    z_f = [jnp.zeros((8, _K), jnp.float32)] * ng
    aidx, aval = lax.fori_loop(0, _K, kstep, (z_i, z_f))
    base = (i // (_S // _SB)) * _N
    for g in range(ng):
        first = aidx[g][:, 0:1]
        gidx_ref[0, g * 8:(g + 1) * 8, :] = (
            jnp.where(aval[g] > _RAD2, first, aidx[g]) + base)


def _seltc_call(nx_pad, xt):
    nsb = _S // _SB
    return pl.pallas_call(
        _seltc_body,
        grid=(_B * nsb,),
        in_specs=[
            pl.BlockSpec((1, _SB, 8), lambda i: (i // 4, i % 4, 0)),
            pl.BlockSpec((1, 8, _N), lambda i: (i // 4, 0, 0)),
        ],
        out_specs=pl.BlockSpec((1, _SB, _K), lambda i: (i // 4, i % 4, 0)),
        out_shape=jax.ShapeDtypeStruct((_B, _S, _K), jnp.int32),
        scratch_shapes=[pltpu.VMEM((_SB, _N), jnp.float32)],
    )(nx_pad, xt)


def _gather_call(table, idx2):
    nchunk = idx2.shape[0]
    per_w = nchunk // _NW
    mesh = plsc.VectorSubcoreMesh(core_axis_name="c", subcore_axis_name="s")

    @functools.partial(
        pl.kernel,
        mesh=mesh,
        out_type=jax.ShapeDtypeStruct((nchunk, _CH, _D), jnp.float32),
        scratch_types=[
            pltpu.VMEM((_CH,), jnp.int32),
            pltpu.VMEM((_CH,), jnp.int32),
            pltpu.VMEM((_CH, _D), jnp.float32),
            pltpu.VMEM((_CH, _D), jnp.float32),
            pltpu.SemaphoreType.DMA,
            pltpu.SemaphoreType.DMA,
        ],
    )
    def k(table_hbm, idx_hbm, out_hbm, idx0, idx1, rows0, rows1, sem0, sem1):
        c = lax.axis_index("c")
        s = lax.axis_index("s")
        base = (s * 2 + c) * per_w

        pltpu.sync_copy(idx_hbm.at[base], idx0)
        pltpu.async_copy(table_hbm.at[idx0], rows0, sem0)

        def body(j, carry):
            e = base + 2 * j
            pltpu.sync_copy(idx_hbm.at[e + 1], idx1)
            pltpu.async_copy(table_hbm.at[idx1], rows1, sem1)
            pltpu.make_async_copy(table_hbm.at[idx0], rows0, sem0).wait()
            pltpu.sync_copy(rows0, out_hbm.at[e])
            pltpu.sync_copy(idx_hbm.at[e + 2], idx0)
            pltpu.async_copy(table_hbm.at[idx0], rows0, sem0)
            pltpu.make_async_copy(table_hbm.at[idx1], rows1, sem1).wait()
            pltpu.sync_copy(rows1, out_hbm.at[e + 1])
            return carry

        lax.fori_loop(0, per_w // 2 - 1, body, 0)
        e = base + per_w - 2
        pltpu.sync_copy(idx_hbm.at[e + 1], idx1)
        pltpu.async_copy(table_hbm.at[idx1], rows1, sem1)
        pltpu.make_async_copy(table_hbm.at[idx0], rows0, sem0).wait()
        pltpu.sync_copy(rows0, out_hbm.at[e])
        pltpu.make_async_copy(table_hbm.at[idx1], rows1, sem1).wait()
        pltpu.sync_copy(rows1, out_hbm.at[e + 1])

    return k(table, idx2)


def _mlp_body(g_ref, c_ref, w1_ref, b1_ref, w2_ref, b2_ref, a_ref, o_ref):
    g = g_ref[0]
    cpad = c_ref[0]
    feat = g - cpad[:, None, :]
    feat2 = feat.reshape(_SB * _K, _D)
    h = lax.dot_general(feat2, w1_ref[:], (((1,), (0,)), ((), ())),
                        preferred_element_type=jnp.float32) + b1_ref[:]
    h = jnp.maximum(h, 0.0)
    h = lax.dot_general(h, w2_ref[:], (((1,), (0,)), ((), ())),
                        preferred_element_type=jnp.float32) + b2_ref[:]
    h = jnp.maximum(h, 0.0)
    logit = jnp.sum(h * a_ref[:], axis=1).reshape(_SB, _K)
    m = jnp.max(logit, axis=1, keepdims=True)
    e = jnp.exp(logit - m)
    att = e / jnp.sum(e, axis=1, keepdims=True)
    h3 = h.reshape(_SB, _K, 128)
    o_ref[0] = jnp.sum(h3 * att[:, :, None], axis=1)


def _mlp_call(gathered, cpad, W1p, b1r, W2, b2r, ar):
    grid = (_B, _S // _SB)
    full = lambda shape: pl.BlockSpec(shape, lambda b, s: tuple(0 for _ in shape))
    return pl.pallas_call(
        _mlp_body,
        grid=grid,
        in_specs=[
            pl.BlockSpec((1, _SB, _K, _D), lambda b, s: (b, s, 0, 0)),
            pl.BlockSpec((1, _SB, _D), lambda b, s: (b, s, 0)),
            full((_D, 128)),
            full((1, 128)),
            full((128, 128)),
            full((1, 128)),
            full((1, 128)),
        ],
        out_specs=pl.BlockSpec((1, _SB, 128), lambda b, s: (b, s, 0)),
        out_shape=jax.ShapeDtypeStruct((_B, _S, 128), jnp.float32),
    )(gathered, cpad, W1p, b1r, W2, b2r, ar)


def kernel(xyz, points, W1, b1, W2, b2, a):
    xs = xyz[..., 0]
    ys = xyz[..., 1]
    zs = xyz[..., 2]
    cx, cy, cz = _fps_call(xs, ys, zs)
    nx = jnp.stack([cx, cy, cz], axis=-1)
    nx_pad = jnp.concatenate(
        [nx, jnp.zeros((_B, _S, 5), jnp.float32)], axis=-1)
    xt = jnp.concatenate(
        [jnp.stack([xs, ys, zs], axis=1),
         jnp.zeros((_B, 5, _N), jnp.float32)], axis=1)
    gidx = _seltc_call(nx_pad, xt)
    table = jnp.concatenate(
        [xyz, points, jnp.zeros((_B, _N, _D - 67), jnp.float32)],
        axis=-1).reshape(_B * _N, _D)
    idx2 = gidx.reshape(-1, _CH)
    gathered = _gather_call(table, idx2).reshape(_B, _S, _K, _D)

    cpad = jnp.concatenate(
        [nx, jnp.zeros((_B, _S, _D - 3), jnp.float32)], axis=-1)
    W1p = jnp.concatenate(
        [W1, jnp.zeros((_D - 67, 128), jnp.float32)], axis=0)
    return _mlp_call(gathered, cpad, W1p, b1.reshape(1, 128), W2,
                     b2.reshape(1, 128), a.reshape(1, 128))

# --- scband reference (transcript-rebuilt; emitter-appended) ---
"""Pipeline reference for scband-gaclayer-51092930953557 (READ-ONLY COPY).

The authoritative reference and input builder live on the scoring server;
editing this copy changes nothing except your own understanding.
"""

import jax, jax.numpy as jnp
import numpy as np

NPOINT = 512
NSAMPLE = 32
RADIUS = 0.2


def setup_inputs(seed: int = 0) -> dict:
    key = jax.random.key(seed)
    k1, k2, k3, k4, k5 = jax.random.split(key, 5)
    xyz = jax.random.uniform(k1, (8, 4096, 3), dtype=jnp.float32)
    points = jax.random.normal(k2, (8, 4096, 64), dtype=jnp.float32)
    W1 = jax.random.normal(k3, (67, 128), dtype=jnp.float32) * 0.05
    b1 = jnp.zeros((128,), dtype=jnp.float32)
    W2 = jax.random.normal(k4, (128, 128), dtype=jnp.float32) * 0.05
    b2 = jnp.zeros((128,), dtype=jnp.float32)
    a = jax.random.normal(k5, (128,), dtype=jnp.float32) * 0.05
    return {"xyz": xyz, "points": points, "W1": W1, "b1": b1, "W2": W2, "b2": b2, "a": a}


def square_distance(src, dst):
    # [B,N,C] x [B,M,C] -> [B,N,M]
    B, N, _ = src.shape
    _, M, _ = dst.shape
    dist = -2.0 * jnp.matmul(src, jnp.transpose(dst, (0, 2, 1)))
    dist = dist + jnp.sum(src ** 2, -1)[:, :, None]
    dist = dist + jnp.sum(dst ** 2, -1)[:, None, :]
    return dist


def farthest_point_sampler(xyz, npoint):
    B, N, C = xyz.shape
    batch_indices = jnp.arange(B)

    def body(i, state):
        centroids, distance, farthest = state
        centroids = centroids.at[:, i].set(farthest)
        centroid = xyz[batch_indices, farthest][:, None, :]
        dist = jnp.sum((xyz - centroid) ** 2, -1)
        distance = jnp.minimum(distance, dist)
        farthest = jnp.argmax(distance, -1).astype(jnp.int32)
        return (centroids, distance, farthest)

    centroids0 = jnp.zeros((B, npoint), dtype=jnp.int32)
    distance0 = jnp.full((B, N), 1e10, dtype=jnp.float32)
    farthest0 = jnp.zeros((B,), dtype=jnp.int32)
    centroids, _, _ = jax.lax.fori_loop(0, npoint, body, (centroids0, distance0, farthest0))
    return centroids


def reference(xyz, points, W1, b1, W2, b2, a):
    B, N, _ = xyz.shape
    # farthest point sampling of centroids (retrieval queries)
    centroids = farthest_point_sampler(jax.lax.stop_gradient(xyz), NPOINT)
    bidx = jnp.arange(B)[:, None]
    new_xyz = xyz[bidx, centroids]  # [B,S,3]
    # pairwise squared distances queries -> all points (kNN retrieval core)
    sqrdists = square_distance(new_xyz, xyz)  # [B,S,N]
    negd, idx = jax.lax.top_k(-sqrdists, NSAMPLE)  # nearest NSAMPLE
    d = -negd
    first = idx[:, :, :1]
    group_idx = jnp.where(d > RADIUS ** 2, first, idx)  # ball-query masking
    bidx3 = jnp.arange(B)[:, None, None]
    grouped_xyz = xyz[bidx3, group_idx] - new_xyz[:, :, None, :]  # [B,S,K,3]
    grouped_pts = points[bidx3, group_idx]  # [B,S,K,64]
    feat = jnp.concatenate([grouped_xyz, grouped_pts], axis=-1)  # [B,S,K,67]
    # shared MLP over neighbors
    h = jax.nn.relu(feat @ W1 + b1)
    h = jax.nn.relu(h @ W2 + b2)  # [B,S,K,128]
    # attention mix over neighbors
    att = jax.nn.softmax(h @ a, axis=-1)  # [B,S,K]
    out = jnp.sum(h * att[..., None], axis=2)  # [B,S,128]
    return out

if __name__ == "__main__":
    import jax
    _d = setup_inputs()
    print(jax.jit(kernel)(*tuple(_d.values())))

</pallas_src>

<mosaic_0001>
#map = affine_map<(d0, d1) -> (0, 0)>
#map1 = affine_map<(d0, d1) -> (0, 0, 0)>
module attributes {stable_mosaic.version = 14 : i64} {
  func.func @k(%arg0: i32, %arg1: i32, %arg2: memref<32768x128xf32, #tpu.memory_space<hbm>>, %arg3: memref<1024x128xi32, #tpu.memory_space<hbm>>, %arg4: memref<1024x128x128xf32, #tpu.memory_space<hbm>>, %arg5: memref<128xi32, #tpu.memory_space<vmem>>, %arg6: memref<128xi32, #tpu.memory_space<vmem>>, %arg7: memref<128x128xf32, #tpu.memory_space<vmem>>, %arg8: memref<128x128xf32, #tpu.memory_space<vmem>>, %arg9: memref<!tpu.dma_semaphore, #tpu.memory_space<semaphore_mem>>, %arg10: memref<!tpu.dma_semaphore, #tpu.memory_space<semaphore_mem>>) attributes {dimension_semantics = [#tpu.dimension_semantics<core_parallel>, #tpu.dimension_semantics<subcore_parallel>], iteration_bounds = array<i64: 2, 16>, scalar_prefetch = 0 : i64, scratch_operands = 6 : i64, tpu.core_type = #tpu.core_type<sc_vector_subcore>, window_params = [{transform_indices = #map}, {transform_indices = #map}, {transform_indices = #map1}]} {
    %mul3A = arith.constant 2 : i32
    %mul3A_0 = arith.muli %arg1, %mul3A : i32
    %add3A = arith.addi %mul3A_0, %arg0 : i32
    %mul3A_1 = arith.constant 32 : i32
    %mul3A_2 = arith.muli %add3A, %mul3A_1 : i32
    "tpu.region"() ({
      %run_scoped3A = tpu.sem_alloc : memref<!tpu.dma_semaphore, #tpu.memory_space<semaphore_mem>>
      %dma_start3A_25 = arith.constant 0 : i32
      %dma_start3A_26 = tpu.memref_slice %arg3[%mul3A_2, %dma_start3A_25] : memref<1024x128xi32, #tpu.memory_space<hbm>> -> memref<1x128xi32, #tpu.memory_space<hbm>>
      %dma_start3A_27 = tpu.memref_squeeze %dma_start3A_26 : memref<1x128xi32, #tpu.memory_space<hbm>> -> memref<128xi32, #tpu.memory_space<hbm>>
      %dma_start3A_28 = arith.constant 0 : i32
      %dma_start3A_29 = tpu.memref_slice %arg3[%mul3A_2, %dma_start3A_28] : memref<1024x128xi32, #tpu.memory_space<hbm>> -> memref<1x128xi32, #tpu.memory_space<hbm>>
      %dma_start3A_30 = tpu.memref_squeeze %dma_start3A_29 : memref<1x128xi32, #tpu.memory_space<hbm>> -> memref<128xi32, #tpu.memory_space<hbm>>
      tpu.enqueue_dma source(%dma_start3A_30 : memref<128xi32, #tpu.memory_space<hbm>>) target(%arg5 : memref<128xi32, #tpu.memory_space<vmem>>) target_semaphore(%run_scoped3A : memref<!tpu.dma_semaphore, #tpu.memory_space<semaphore_mem>>)
      %dma_wait3A_31 = arith.constant 0 : i32
      %dma_wait3A_32 = tpu.memref_slice %arg3[%mul3A_2, %dma_wait3A_31] : memref<1024x128xi32, #tpu.memory_space<hbm>> -> memref<1x128xi32, #tpu.memory_space<hbm>>
      %dma_wait3A_33 = tpu.memref_squeeze %dma_wait3A_32 : memref<1x128xi32, #tpu.memory_space<hbm>> -> memref<128xi32, #tpu.memory_space<hbm>>
      %dma_wait3A_34 = arith.constant 0 : i32
      %dma_wait3A_35 = tpu.memref_slice %arg3[%mul3A_2, %dma_wait3A_34] : memref<1024x128xi32, #tpu.memory_space<hbm>> -> memref<1x128xi32, #tpu.memory_space<hbm>>
      %dma_wait3A_36 = tpu.memref_squeeze %dma_wait3A_35 : memref<1x128xi32, #tpu.memory_space<hbm>> -> memref<128xi32, #tpu.memory_space<hbm>>
      tpu.wait_dma2 semaphore(%run_scoped3A : memref<!tpu.dma_semaphore, #tpu.memory_space<semaphore_mem>>) src(%dma_wait3A_36 : memref<128xi32, #tpu.memory_space<hbm>>) dst(%arg5 : memref<128xi32, #tpu.memory_space<vmem>>)
      tpu.yield
    }) : () -> ()
    %dma_start3A = arith.constant 0 : i32
    %dma_start3A_3 = arith.constant 0 : i32
    %dma_start3A_4 = tpu.memref_slice %arg2[%dma_start3A, %dma_start3A_3] : memref<32768x128xf32, #tpu.memory_space<hbm>> -> memref<32768x128xf32, #tpu.memory_space<hbm>>
    tpu.enqueue_indirect_dma source(%dma_start3A_4 : memref<32768x128xf32, #tpu.memory_space<hbm>>) target(%arg7 : memref<128x128xf32, #tpu.memory_space<vmem>>) offsets(%arg5 : memref<128xi32, #tpu.memory_space<vmem>>) semaphore(%arg9 : memref<!tpu.dma_semaphore, #tpu.memory_space<semaphore_mem>>)
    %scan3A = arith.constant 0 : i32
    %scan3A_5 = arith.constant 0 : i32
    %scan3A_6 = arith.constant 15 : i32
    %scan3A_7 = arith.addi %scan3A_5, %scan3A_6 : i32
    %scan3A_8 = arith.constant 1 : i32
    scf.for %scan3A_25 = %scan3A_5 to %scan3A_7 step %scan3A_8  : i32 {
      %mul3A_26 = arith.constant 2 : i32
      %mul3A_27 = arith.muli %mul3A_26, %scan3A_25 : i32
      %add3A_28 = arith.addi %mul3A_2, %mul3A_27 : i32
      %add3A_29 = arith.constant 1 : i32
      %add3A_30 = arith.addi %add3A_28, %add3A_29 : i32
      "tpu.region"() ({
        %run_scoped3A = tpu.sem_alloc : memref<!tpu.dma_semaphore, #tpu.memory_space<semaphore_mem>>
        %dma_start3A_47 = arith.constant 0 : i32
        %dma_start3A_48 = tpu.memref_slice %arg3[%add3A_30, %dma_start3A_47] : memref<1024x128xi32, #tpu.memory_space<hbm>> -> memref<1x128xi32, #tpu.memory_space<hbm>>
        %dma_start3A_49 = tpu.memref_squeeze %dma_start3A_48 : memref<1x128xi32, #tpu.memory_space<hbm>> -> memref<128xi32, #tpu.memory_space<hbm>>
        %dma_start3A_50 = arith.constant 0 : i32
        %dma_start3A_51 = tpu.memref_slice %arg3[%add3A_30, %dma_start3A_50] : memref<1024x128xi32, #tpu.memory_space<hbm>> -> memref<1x128xi32, #tpu.memory_space<hbm>>
        %dma_start3A_52 = tpu.memref_squeeze %dma_start3A_51 : memref<1x128xi32, #tpu.memory_space<hbm>> -> memref<128xi32, #tpu.memory_space<hbm>>
        tpu.enqueue_dma source(%dma_start3A_52 : memref<128xi32, #tpu.memory_space<hbm>>) target(%arg6 : memref<128xi32, #tpu.memory_space<vmem>>) target_semaphore(%run_scoped3A : memref<!tpu.dma_semaphore, #tpu.memory_space<semaphore_mem>>)
        %dma_wait3A_53 = arith.constant 0 : i32
        %dma_wait3A_54 = tpu.memref_slice %arg3[%add3A_30, %dma_wait3A_53] : memref<1024x128xi32, #tpu.memory_space<hbm>> -> memref<1x128xi32, #tpu.memory_space<hbm>>
        %dma_wait3A_55 = tpu.memref_squeeze %dma_wait3A_54 : memref<1x128xi32, #tpu.memory_space<hbm>> -> memref<128xi32, #tpu.memory_space<hbm>>
        %dma_wait3A_56 = arith.constant 0 : i32
        %dma_wait3A_57 = tpu.memref_slice %arg3[%add3A_30, %dma_wait3A_56] : memref<1024x128xi32, #tpu.memory_space<hbm>> -> memref<1x128xi32, #tpu.memory_space<hbm>>
        %dma_wait3A_58 = tpu.memref_squeeze %dma_wait3A_57 : memref<1x128xi32, #tpu.memory_space<hbm>> -> memref<128xi32, #tpu.memory_space<hbm>>
        tpu.wait_dma2 semaphore(%run_scoped3A : memref<!tpu.dma_semaphore, #tpu.memory_space<semaphore_mem>>) src(%dma_wait3A_58 : memref<128xi32, #tpu.memory_space<hbm>>) dst(%arg6 : memref<128xi32, #tpu.memory_space<vmem>>)
        tpu.yield
      }) : () -> ()
      %dma_start3A_31 = arith.constant 0 : i32
      %dma_start3A_32 = arith.constant 0 : i32
      %dma_start3A_33 = tpu.memref_slice %arg2[%dma_start3A_31, %dma_start3A_32] : memref<32768x128xf32, #tpu.memory_space<hbm>> -> memref<32768x128xf32, #tpu.memory_space<hbm>>
      tpu.enqueue_indirect_dma source(%dma_start3A_33 : memref<32768x128xf32, #tpu.memory_space<hbm>>) target(%arg8 : memref<128x128xf32, #tpu.memory_space<vmem>>) offsets(%arg6 : memref<128xi32, #tpu.memory_space<vmem>>) semaphore(%arg10 : memref<!tpu.dma_semaphore, #tpu.memory_space<semaphore_mem>>)
      %dma_wait3A_34 = arith.constant 0 : i32
      %dma_wait3A_35 = arith.constant 0 : i32
      %dma_wait3A_36 = tpu.memref_slice %arg2[%dma_wait3A_34, %dma_wait3A_35] : memref<32768x128xf32, #tpu.memory_space<hbm>> -> memref<32768x128xf32, #tpu.memory_space<hbm>>
      tpu.wait_indirect_dma semaphore(%arg9 : memref<!tpu.dma_semaphore, #tpu.memory_space<semaphore_mem>>) src(%dma_wait3A_36 : memref<32768x128xf32, #tpu.memory_space<hbm>>) dst(%arg7 : memref<128x128xf32, #tpu.memory_space<vmem>>)
      "tpu.region"() ({
        %run_scoped3A = tpu.sem_alloc : memref<!tpu.dma_semaphore, #tpu.memory_space<semaphore_mem>>
        %dma_start3A_47 = arith.constant 0 : i32
        %dma_start3A_48 = arith.constant 0 : i32
        %dma_start3A_49 = tpu.memref_slice %arg4[%add3A_28, %dma_start3A_47, %dma_start3A_48] : memref<1024x128x128xf32, #tpu.memory_space<hbm>> -> memref<1x128x128xf32, #tpu.memory_space<hbm>>
        %dma_start3A_50 = tpu.memref_squeeze %dma_start3A_49 : memref<1x128x128xf32, #tpu.memory_space<hbm>> -> memref<128x128xf32, #tpu.memory_space<hbm>>
        %dma_start3A_51 = arith.constant 0 : i32
        %dma_start3A_52 = arith.constant 0 : i32
        %dma_start3A_53 = tpu.memref_slice %arg4[%add3A_28, %dma_start3A_51, %dma_start3A_52] : memref<1024x128x128xf32, #tpu.memory_space<hbm>> -> memref<1x128x128xf32, #tpu.memory_space<hbm>>
        %dma_start3A_54 = tpu.memref_squeeze %dma_start3A_53 : memref<1x128x128xf32, #tpu.memory_space<hbm>> -> memref<128x128xf32, #tpu.memory_space<hbm>>
        tpu.enqueue_dma source(%arg7 : memref<128x128xf32, #tpu.memory_space<vmem>>) target(%dma_start3A_54 : memref<128x128xf32, #tpu.memory_space<hbm>>) target_semaphore(%run_scoped3A : memref<!tpu.dma_semaphore, #tpu.memory_space<semaphore_mem>>)
        %dma_wait3A_55 = arith.constant 0 : i32
        %dma_wait3A_56 = arith.constant 0 : i32
        %dma_wait3A_57 = tpu.memref_slice %arg4[%add3A_28, %dma_wait3A_55, %dma_wait3A_56] : memref<1024x128x128xf32, #tpu.memory_space<hbm>> -> memref<1x128x128xf32, #tpu.memory_space<hbm>>
        %dma_wait3A_58 = tpu.memref_squeeze %dma_wait3A_57 : memref<1x128x128xf32, #tpu.memory_space<hbm>> -> memref<128x128xf32, #tpu.memory_space<hbm>>
        %dma_wait3A_59 = arith.constant 0 : i32
        %dma_wait3A_60 = arith.constant 0 : i32
        %dma_wait3A_61 = tpu.memref_slice %arg4[%add3A_28, %dma_wait3A_59, %dma_wait3A_60] : memref<1024x128x128xf32, #tpu.memory_space<hbm>> -> memref<1x128x128xf32, #tpu.memory_space<hbm>>
        %dma_wait3A_62 = tpu.memref_squeeze %dma_wait3A_61 : memref<1x128x128xf32, #tpu.memory_space<hbm>> -> memref<128x128xf32, #tpu.memory_space<hbm>>
        tpu.wait_dma2 semaphore(%run_scoped3A : memref<!tpu.dma_semaphore, #tpu.memory_space<semaphore_mem>>) src(%arg7 : memref<128x128xf32, #tpu.memory_space<vmem>>) dst(%dma_wait3A_62 : memref<128x128xf32, #tpu.memory_space<hbm>>)
        tpu.yield
      }) : () -> ()
      %add3A_37 = arith.constant 2 : i32
      %add3A_38 = arith.addi %add3A_28, %add3A_37 : i32
      "tpu.region"() ({
        %run_scoped3A = tpu.sem_alloc : memref<!tpu.dma_semaphore, #tpu.memory_space<semaphore_mem>>
        %dma_start3A_47 = arith.constant 0 : i32
        %dma_start3A_48 = tpu.memref_slice %arg3[%add3A_38, %dma_start3A_47] : memref<1024x128xi32, #tpu.memory_space<hbm>> -> memref<1x128xi32, #tpu.memory_space<hbm>>
        %dma_start3A_49 = tpu.memref_squeeze %dma_start3A_48 : memref<1x128xi32, #tpu.memory_space<hbm>> -> memref<128xi32, #tpu.memory_space<hbm>>
        %dma_start3A_50 = arith.constant 0 : i32
        %dma_start3A_51 = tpu.memref_slice %arg3[%add3A_38, %dma_start3A_50] : memref<1024x128xi32, #tpu.memory_space<hbm>> -> memref<1x128xi32, #tpu.memory_space<hbm>>
        %dma_start3A_52 = tpu.memref_squeeze %dma_start3A_51 : memref<1x128xi32, #tpu.memory_space<hbm>> -> memref<128xi32, #tpu.memory_space<hbm>>
        tpu.enqueue_dma source(%dma_start3A_52 : memref<128xi32, #tpu.memory_space<hbm>>) target(%arg5 : memref<128xi32, #tpu.memory_space<vmem>>) target_semaphore(%run_scoped3A : memref<!tpu.dma_semaphore, #tpu.memory_space<semaphore_mem>>)
        %dma_wait3A_53 = arith.constant 0 : i32
        %dma_wait3A_54 = tpu.memref_slice %arg3[%add3A_38, %dma_wait3A_53] : memref<1024x128xi32, #tpu.memory_space<hbm>> -> memref<1x128xi32, #tpu.memory_space<hbm>>
        %dma_wait3A_55 = tpu.memref_squeeze %dma_wait3A_54 : memref<1x128xi32, #tpu.memory_space<hbm>> -> memref<128xi32, #tpu.memory_space<hbm>>
        %dma_wait3A_56 = arith.constant 0 : i32
        %dma_wait3A_57 = tpu.memref_slice %arg3[%add3A_38, %dma_wait3A_56] : memref<1024x128xi32, #tpu.memory_space<hbm>> -> memref<1x128xi32, #tpu.memory_space<hbm>>
        %dma_wait3A_58 = tpu.memref_squeeze %dma_wait3A_57 : memref<1x128xi32, #tpu.memory_space<hbm>> -> memref<128xi32, #tpu.memory_space<hbm>>
        tpu.wait_dma2 semaphore(%run_scoped3A : memref<!tpu.dma_semaphore, #tpu.memory_space<semaphore_mem>>) src(%dma_wait3A_58 : memref<128xi32, #tpu.memory_space<hbm>>) dst(%arg5 : memref<128xi32, #tpu.memory_space<vmem>>)
        tpu.yield
      }) : () -> ()
      %dma_start3A_39 = arith.constant 0 : i32
      %dma_start3A_40 = arith.constant 0 : i32
      %dma_start3A_41 = tpu.memref_slice %arg2[%dma_start3A_39, %dma_start3A_40] : memref<32768x128xf32, #tpu.memory_space<hbm>> -> memref<32768x128xf32, #tpu.memory_space<hbm>>
      tpu.enqueue_indirect_dma source(%dma_start3A_41 : memref<32768x128xf32, #tpu.memory_space<hbm>>) target(%arg7 : memref<128x128xf32, #tpu.memory_space<vmem>>) offsets(%arg5 : memref<128xi32, #tpu.memory_space<vmem>>) semaphore(%arg9 : memref<!tpu.dma_semaphore, #tpu.memory_space<semaphore_mem>>)
      %dma_wait3A_42 = arith.constant 0 : i32
      %dma_wait3A_43 = arith.constant 0 : i32
      %dma_wait3A_44 = tpu.memref_slice %arg2[%dma_wait3A_42, %dma_wait3A_43] : memref<32768x128xf32, #tpu.memory_space<hbm>> -> memref<32768x128xf32, #tpu.memory_space<hbm>>
      tpu.wait_indirect_dma semaphore(%arg10 : memref<!tpu.dma_semaphore, #tpu.memory_space<semaphore_mem>>) src(%dma_wait3A_44 : memref<32768x128xf32, #tpu.memory_space<hbm>>) dst(%arg8 : memref<128x128xf32, #tpu.memory_space<vmem>>)
      %add3A_45 = arith.constant 1 : i32
      %add3A_46 = arith.addi %add3A_28, %add3A_45 : i32
      "tpu.region"() ({
        %run_scoped3A = tpu.sem_alloc : memref<!tpu.dma_semaphore, #tpu.memory_space<semaphore_mem>>
        %dma_start3A_47 = arith.constant 0 : i32
        %dma_start3A_48 = arith.constant 0 : i32
        %dma_start3A_49 = tpu.memref_slice %arg4[%add3A_46, %dma_start3A_47, %dma_start3A_48] : memref<1024x128x128xf32, #tpu.memory_space<hbm>> -> memref<1x128x128xf32, #tpu.memory_space<hbm>>
        %dma_start3A_50 = tpu.memref_squeeze %dma_start3A_49 : memref<1x128x128xf32, #tpu.memory_space<hbm>> -> memref<128x128xf32, #tpu.memory_space<hbm>>
        %dma_start3A_51 = arith.constant 0 : i32
        %dma_start3A_52 = arith.constant 0 : i32
        %dma_start3A_53 = tpu.memref_slice %arg4[%add3A_46, %dma_start3A_51, %dma_start3A_52] : memref<1024x128x128xf32, #tpu.memory_space<hbm>> -> memref<1x128x128xf32, #tpu.memory_space<hbm>>
        %dma_start3A_54 = tpu.memref_squeeze %dma_start3A_53 : memref<1x128x128xf32, #tpu.memory_space<hbm>> -> memref<128x128xf32, #tpu.memory_space<hbm>>
        tpu.enqueue_dma source(%arg8 : memref<128x128xf32, #tpu.memory_space<vmem>>) target(%dma_start3A_54 : memref<128x128xf32, #tpu.memory_space<hbm>>) target_semaphore(%run_scoped3A : memref<!tpu.dma_semaphore, #tpu.memory_space<semaphore_mem>>)
        %dma_wait3A_55 = arith.constant 0 : i32
        %dma_wait3A_56 = arith.constant 0 : i32
        %dma_wait3A_57 = tpu.memref_slice %arg4[%add3A_46, %dma_wait3A_55, %dma_wait3A_56] : memref<1024x128x128xf32, #tpu.memory_space<hbm>> -> memref<1x128x128xf32, #tpu.memory_space<hbm>>
        %dma_wait3A_58 = tpu.memref_squeeze %dma_wait3A_57 : memref<1x128x128xf32, #tpu.memory_space<hbm>> -> memref<128x128xf32, #tpu.memory_space<hbm>>
        %dma_wait3A_59 = arith.constant 0 : i32
        %dma_wait3A_60 = arith.constant 0 : i32
        %dma_wait3A_61 = tpu.memref_slice %arg4[%add3A_46, %dma_wait3A_59, %dma_wait3A_60] : memref<1024x128x128xf32, #tpu.memory_space<hbm>> -> memref<1x128x128xf32, #tpu.memory_space<hbm>>
        %dma_wait3A_62 = tpu.memref_squeeze %dma_wait3A_61 : memref<1x128x128xf32, #tpu.memory_space<hbm>> -> memref<128x128xf32, #tpu.memory_space<hbm>>
        tpu.wait_dma2 semaphore(%run_scoped3A : memref<!tpu.dma_semaphore, #tpu.memory_space<semaphore_mem>>) src(%arg8 : memref<128x128xf32, #tpu.memory_space<vmem>>) dst(%dma_wait3A_62 : memref<128x128xf32, #tpu.memory_space<hbm>>)
        tpu.yield
      }) : () -> ()
    }
    %scan3A_9 = arith.constant 15 : i32
    %add3A_10 = arith.constant 32 : i32
    %add3A_11 = arith.addi %mul3A_2, %add3A_10 : i32
    %sub3A = arith.constant 2 : i32
    %sub3A_12 = arith.subi %add3A_11, %sub3A : i32
    %add3A_13 = arith.constant 1 : i32
    %add3A_14 = arith.addi %sub3A_12, %add3A_13 : i32
    "tpu.region"() ({
      %run_scoped3A = tpu.sem_alloc : memref<!tpu.dma_semaphore, #tpu.memory_space<semaphore_mem>>
      %dma_start3A_25 = arith.constant 0 : i32
      %dma_start3A_26 = tpu.memref_slice %arg3[%add3A_14, %dma_start3A_25] : memref<1024x128xi32, #tpu.memory_space<hbm>> -> memref<1x128xi32, #tpu.memory_space<hbm>>
      %dma_start3A_27 = tpu.memref_squeeze %dma_start3A_26 : memref<1x128xi32, #tpu.memory_space<hbm>> -> memref<128xi32, #tpu.memory_space<hbm>>
      %dma_start3A_28 = arith.constant 0 : i32
      %dma_start3A_29 = tpu.memref_slice %arg3[%add3A_14, %dma_start3A_28] : memref<1024x128xi32, #tpu.memory_space<hbm>> -> memref<1x128xi32, #tpu.memory_space<hbm>>
      %dma_start3A_30 = tpu.memref_squeeze %dma_start3A_29 : memref<1x128xi32, #tpu.memory_space<hbm>> -> memref<128xi32, #tpu.memory_space<hbm>>
      tpu.enqueue_dma source(%dma_start3A_30 : memref<128xi32, #tpu.memory_space<hbm>>) target(%arg6 : memref<128xi32, #tpu.memory_space<vmem>>) target_semaphore(%run_scoped3A : memref<!tpu.dma_semaphore, #tpu.memory_space<semaphore_mem>>)
      %dma_wait3A_31 = arith.constant 0 : i32
      %dma_wait3A_32 = tpu.memref_slice %arg3[%add3A_14, %dma_wait3A_31] : memref<1024x128xi32, #tpu.memory_space<hbm>> -> memref<1x128xi32, #tpu.memory_space<hbm>>
      %dma_wait3A_33 = tpu.memref_squeeze %dma_wait3A_32 : memref<1x128xi32, #tpu.memory_space<hbm>> -> memref<128xi32, #tpu.memory_space<hbm>>
      %dma_wait3A_34 = arith.constant 0 : i32
      %dma_wait3A_35 = tpu.memref_slice %arg3[%add3A_14, %dma_wait3A_34] : memref<1024x128xi32, #tpu.memory_space<hbm>> -> memref<1x128xi32, #tpu.memory_space<hbm>>
      %dma_wait3A_36 = tpu.memref_squeeze %dma_wait3A_35 : memref<1x128xi32, #tpu.memory_space<hbm>> -> memref<128xi32, #tpu.memory_space<hbm>>
      tpu.wait_dma2 semaphore(%run_scoped3A : memref<!tpu.dma_semaphore, #tpu.memory_space<semaphore_mem>>) src(%dma_wait3A_36 : memref<128xi32, #tpu.memory_space<hbm>>) dst(%arg6 : memref<128xi32, #tpu.memory_space<vmem>>)
      tpu.yield
    }) : () -> ()
    %dma_start3A_15 = arith.constant 0 : i32
    %dma_start3A_16 = arith.constant 0 : i32
    %dma_start3A_17 = tpu.memref_slice %arg2[%dma_start3A_15, %dma_start3A_16] : memref<32768x128xf32, #tpu.memory_space<hbm>> -> memref<32768x128xf32, #tpu.memory_space<hbm>>
    tpu.enqueue_indirect_dma source(%dma_start3A_17 : memref<32768x128xf32, #tpu.memory_space<hbm>>) target(%arg8 : memref<128x128xf32, #tpu.memory_space<vmem>>) offsets(%arg6 : memref<128xi32, #tpu.memory_space<vmem>>) semaphore(%arg10 : memref<!tpu.dma_semaphore, #tpu.memory_space<semaphore_mem>>)
    %dma_wait3A = arith.constant 0 : i32
    %dma_wait3A_18 = arith.constant 0 : i32
    %dma_wait3A_19 = tpu.memref_slice %arg2[%dma_wait3A, %dma_wait3A_18] : memref<32768x128xf32, #tpu.memory_space<hbm>> -> memref<32768x128xf32, #tpu.memory_space<hbm>>
    tpu.wait_indirect_dma semaphore(%arg9 : memref<!tpu.dma_semaphore, #tpu.memory_space<semaphore_mem>>) src(%dma_wait3A_19 : memref<32768x128xf32, #tpu.memory_space<hbm>>) dst(%arg7 : memref<128x128xf32, #tpu.memory_space<vmem>>)
    "tpu.region"() ({
      %run_scoped3A = tpu.sem_alloc : memref<!tpu.dma_semaphore, #tpu.memory_space<semaphore_mem>>
      %dma_start3A_25 = arith.constant 0 : i32
      %dma_start3A_26 = arith.constant 0 : i32
      %dma_start3A_27 = tpu.memref_slice %arg4[%sub3A_12, %dma_start3A_25, %dma_start3A_26] : memref<1024x128x128xf32, #tpu.memory_space<hbm>> -> memref<1x128x128xf32, #tpu.memory_space<hbm>>
      %dma_start3A_28 = tpu.memref_squeeze %dma_start3A_27 : memref<1x128x128xf32, #tpu.memory_space<hbm>> -> memref<128x128xf32, #tpu.memory_space<hbm>>
      %dma_start3A_29 = arith.constant 0 : i32
      %dma_start3A_30 = arith.constant 0 : i32
      %dma_start3A_31 = tpu.memref_slice %arg4[%sub3A_12, %dma_start3A_29, %dma_start3A_30] : memref<1024x128x128xf32, #tpu.memory_space<hbm>> -> memref<1x128x128xf32, #tpu.memory_space<hbm>>
      %dma_start3A_32 = tpu.memref_squeeze %dma_start3A_31 : memref<1x128x128xf32, #tpu.memory_space<hbm>> -> memref<128x128xf32, #tpu.memory_space<hbm>>
      tpu.enqueue_dma source(%arg7 : memref<128x128xf32, #tpu.memory_space<vmem>>) target(%dma_start3A_32 : memref<128x128xf32, #tpu.memory_space<hbm>>) target_semaphore(%run_scoped3A : memref<!tpu.dma_semaphore, #tpu.memory_space<semaphore_mem>>)
      %dma_wait3A_33 = arith.constant 0 : i32
      %dma_wait3A_34 = arith.constant 0 : i32
      %dma_wait3A_35 = tpu.memref_slice %arg4[%sub3A_12, %dma_wait3A_33, %dma_wait3A_34] : memref<1024x128x128xf32, #tpu.memory_space<hbm>> -> memref<1x128x128xf32, #tpu.memory_space<hbm>>
      %dma_wait3A_36 = tpu.memref_squeeze %dma_wait3A_35 : memref<1x128x128xf32, #tpu.memory_space<hbm>> -> memref<128x128xf32, #tpu.memory_space<hbm>>
      %dma_wait3A_37 = arith.constant 0 : i32
      %dma_wait3A_38 = arith.constant 0 : i32
      %dma_wait3A_39 = tpu.memref_slice %arg4[%sub3A_12, %dma_wait3A_37, %dma_wait3A_38] : memref<1024x128x128xf32, #tpu.memory_space<hbm>> -> memref<1x128x128xf32, #tpu.memory_space<hbm>>
      %dma_wait3A_40 = tpu.memref_squeeze %dma_wait3A_39 : memref<1x128x128xf32, #tpu.memory_space<hbm>> -> memref<128x128xf32, #tpu.memory_space<hbm>>
      tpu.wait_dma2 semaphore(%run_scoped3A : memref<!tpu.dma_semaphore, #tpu.memory_space<semaphore_mem>>) src(%arg7 : memref<128x128xf32, #tpu.memory_space<vmem>>) dst(%dma_wait3A_40 : memref<128x128xf32, #tpu.memory_space<hbm>>)
      tpu.yield
    }) : () -> ()
    %dma_wait3A_20 = arith.constant 0 : i32
    %dma_wait3A_21 = arith.constant 0 : i32
    %dma_wait3A_22 = tpu.memref_slice %arg2[%dma_wait3A_20, %dma_wait3A_21] : memref<32768x128xf32, #tpu.memory_space<hbm>> -> memref<32768x128xf32, #tpu.memory_space<hbm>>
    tpu.wait_indirect_dma semaphore(%arg10 : memref<!tpu.dma_semaphore, #tpu.memory_space<semaphore_mem>>) src(%dma_wait3A_22 : memref<32768x128xf32, #tpu.memory_space<hbm>>) dst(%arg8 : memref<128x128xf32, #tpu.memory_space<vmem>>)
    %add3A_23 = arith.constant 1 : i32
    %add3A_24 = arith.addi %sub3A_12, %add3A_23 : i32
    "tpu.region"() ({
      %run_scoped3A = tpu.sem_alloc : memref<!tpu.dma_semaphore, #tpu.memory_space<semaphore_mem>>
      %dma_start3A_25 = arith.constant 0 : i32
      %dma_start3A_26 = arith.constant 0 : i32
      %dma_start3A_27 = tpu.memref_slice %arg4[%add3A_24, %dma_start3A_25, %dma_start3A_26] : memref<1024x128x128xf32, #tpu.memory_space<hbm>> -> memref<1x128x128xf32, #tpu.memory_space<hbm>>
      %dma_start3A_28 = tpu.memref_squeeze %dma_start3A_27 : memref<1x128x128xf32, #tpu.memory_space<hbm>> -> memref<128x128xf32, #tpu.memory_space<hbm>>
      %dma_start3A_29 = arith.constant 0 : i32
      %dma_start3A_30 = arith.constant 0 : i32
      %dma_start3A_31 = tpu.memref_slice %arg4[%add3A_24, %dma_start3A_29, %dma_start3A_30] : memref<1024x128x128xf32, #tpu.memory_space<hbm>> -> memref<1x128x128xf32, #tpu.memory_space<hbm>>
      %dma_start3A_32 = tpu.memref_squeeze %dma_start3A_31 : memref<1x128x128xf32, #tpu.memory_space<hbm>> -> memref<128x128xf32, #tpu.memory_space<hbm>>
      tpu.enqueue_dma source(%arg8 : memref<128x128xf32, #tpu.memory_space<vmem>>) target(%dma_start3A_32 : memref<128x128xf32, #tpu.memory_space<hbm>>) target_semaphore(%run_scoped3A : memref<!tpu.dma_semaphore, #tpu.memory_space<semaphore_mem>>)
      %dma_wait3A_33 = arith.constant 0 : i32
      %dma_wait3A_34 = arith.constant 0 : i32
      %dma_wait3A_35 = tpu.memref_slice %arg4[%add3A_24, %dma_wait3A_33, %dma_wait3A_34] : memref<1024x128x128xf32, #tpu.memory_space<hbm>> -> memref<1x128x128xf32, #tpu.memory_space<hbm>>
      %dma_wait3A_36 = tpu.memref_squeeze %dma_wait3A_35 : memref<1x128x128xf32, #tpu.memory_space<hbm>> -> memref<128x128xf32, #tpu.memory_space<hbm>>
      %dma_wait3A_37 = arith.constant 0 : i32
      %dma_wait3A_38 = arith.constant 0 : i32
      %dma_wait3A_39 = tpu.memref_slice %arg4[%add3A_24, %dma_wait3A_37, %dma_wait3A_38] : memref<1024x128x128xf32, #tpu.memory_space<hbm>> -> memref<1x128x128xf32, #tpu.memory_space<hbm>>
      %dma_wait3A_40 = tpu.memref_squeeze %dma_wait3A_39 : memref<1x128x128xf32, #tpu.memory_space<hbm>> -> memref<128x128xf32, #tpu.memory_space<hbm>>
      tpu.wait_dma2 semaphore(%run_scoped3A : memref<!tpu.dma_semaphore, #tpu.memory_space<semaphore_mem>>) src(%arg8 : memref<128x128xf32, #tpu.memory_space<vmem>>) dst(%dma_wait3A_40 : memref<128x128xf32, #tpu.memory_space<hbm>>)
      tpu.yield
    }) : () -> ()
    return
  }
}

module attributes {stable_mosaic.version = 14 : i64} {
  func.func @_fps_body(%arg0: memref<8x4096xf32, #tpu.memory_space<vmem>>, %arg1: memref<8x4096xf32, #tpu.memory_space<vmem>>, %arg2: memref<8x4096xf32, #tpu.memory_space<vmem>>, %arg3: memref<8x512xf32, #tpu.memory_space<vmem>>, %arg4: memref<8x512xf32, #tpu.memory_space<vmem>>, %arg5: memref<8x512xf32, #tpu.memory_space<vmem>>) attributes {dimension_semantics = [], scalar_prefetch = 0 : i64, scratch_operands = 0 : i64, tpu.core_type = #tpu.core_type<tc>} {
    %get3A = arith.constant 0 : index
    %get3A_0 = arith.constant 0 : index
    %get3A_1 = vector.load %arg0[%get3A, %get3A_0] : memref<8x4096xf32, #tpu.memory_space<vmem>>, vector<8x4096xf32>
    %get3A_2 = arith.constant 0 : index
    %get3A_3 = arith.constant 0 : index
    %get3A_4 = vector.load %arg1[%get3A_2, %get3A_3] : memref<8x4096xf32, #tpu.memory_space<vmem>>, vector<8x4096xf32>
    %get3A_5 = arith.constant 0 : index
    %get3A_6 = arith.constant 0 : index
    %get3A_7 = vector.load %arg2[%get3A_5, %get3A_6] : memref<8x4096xf32, #tpu.memory_space<vmem>>, vector<8x4096xf32>
    %iota3A = tpu.iota {dimensions = array<i32: 1>} : vector<8x4096xi32>
    %iota3A_8 = tpu.iota {dimensions = array<i32: 1>} : vector<8x512xi32>
    %broadcast_in_dim3A = arith.constant 1.000000e+10 : f32
    %broadcast_in_dim3A_9 = vector.broadcast %broadcast_in_dim3A : f32 to vector<8x4096xf32>
    %broadcast_in_dim3A_10 = arith.constant 0 : i32
    %broadcast_in_dim3A_11 = vector.broadcast %broadcast_in_dim3A_10 : i32 to vector<8x1xi32>
    %broadcast_in_dim3A_12 = arith.constant 0.000000e+00 : f32
    %broadcast_in_dim3A_13 = vector.broadcast %broadcast_in_dim3A_12 : f32 to vector<8x512xf32>
    %scan3A = arith.constant 0 : i32
    %scan3A_14 = arith.constant 512 : i32
    %scan3A_15 = arith.addi %scan3A, %scan3A_14 : i32
    %scan3A_16 = arith.constant 1 : i32
    %scan3A_17:5 = scf.for %scan3A_27 = %scan3A to %scan3A_15 step %scan3A_16 iter_args(%scan3A_28 = %broadcast_in_dim3A_9, %scan3A_29 = %broadcast_in_dim3A_11, %scan3A_30 = %broadcast_in_dim3A_13, %scan3A_31 = %broadcast_in_dim3A_13, %scan3A_32 = %broadcast_in_dim3A_13) -> (vector<8x4096xf32>, vector<8x1xi32>, vector<8x512xf32>, vector<8x512xf32>, vector<8x512xf32>)  : i32 {
      %eq3A = vector.broadcast %scan3A_29 : vector<8x1xi32> to vector<8x4096xi32>
      %eq3A_33 = arith.cmpi eq, %iota3A, %eq3A : vector<8x4096xi32>
      %jit3A = arith.constant 0.000000e+00 : f32
      %broadcast_in_dim3A_34 = vector.broadcast %jit3A : f32 to vector<8x4096xf32>
      %select_n3A = arith.select %eq3A_33, %get3A_1, %broadcast_in_dim3A_34 : vector<8x4096xi1>, vector<8x4096xf32>
      %reduce_sum3A = arith.constant dense<0.000000e+00> : vector<8xf32>
      %reduce_sum3A_35 = vector.multi_reduction <add>, %select_n3A, %reduce_sum3A [1] : vector<8x4096xf32> to vector<8xf32>
      %broadcast_in_dim3A_36 = vector.shape_cast %reduce_sum3A_35 : vector<8xf32> to vector<8x1xf32>
      %jit3A_37 = arith.constant 0.000000e+00 : f32
      %broadcast_in_dim3A_38 = vector.broadcast %jit3A_37 : f32 to vector<8x4096xf32>
      %select_n3A_39 = arith.select %eq3A_33, %get3A_4, %broadcast_in_dim3A_38 : vector<8x4096xi1>, vector<8x4096xf32>
      %reduce_sum3A_40 = arith.constant dense<0.000000e+00> : vector<8xf32>
      %reduce_sum3A_41 = vector.multi_reduction <add>, %select_n3A_39, %reduce_sum3A_40 [1] : vector<8x4096xf32> to vector<8xf32>
      %broadcast_in_dim3A_42 = vector.shape_cast %reduce_sum3A_41 : vector<8xf32> to vector<8x1xf32>
      %jit3A_43 = arith.constant 0.000000e+00 : f32
      %broadcast_in_dim3A_44 = vector.broadcast %jit3A_43 : f32 to vector<8x4096xf32>
      %select_n3A_45 = arith.select %eq3A_33, %get3A_7, %broadcast_in_dim3A_44 : vector<8x4096xi1>, vector<8x4096xf32>
      %reduce_sum3A_46 = arith.constant dense<0.000000e+00> : vector<8xf32>
      %reduce_sum3A_47 = vector.multi_reduction <add>, %select_n3A_45, %reduce_sum3A_46 [1] : vector<8x4096xf32> to vector<8xf32>
      %broadcast_in_dim3A_48 = vector.shape_cast %reduce_sum3A_47 : vector<8xf32> to vector<8x1xf32>
      %eq3A_49 = vector.broadcast %scan3A_27 : i32 to vector<8x512xi32>
      %eq3A_50 = arith.cmpi eq, %iota3A_8, %eq3A_49 : vector<8x512xi32>
      %broadcast_in_dim3A_51 = vector.shape_cast %broadcast_in_dim3A_36 : vector<8x1xf32> to vector<8x1xf32>
      %broadcast_in_dim3A_52 = vector.broadcast %broadcast_in_dim3A_51 : vector<8x1xf32> to vector<8x512xf32>
      %select_n3A_53 = arith.select %eq3A_50, %broadcast_in_dim3A_52, %scan3A_30 : vector<8x512xi1>, vector<8x512xf32>
      %broadcast_in_dim3A_54 = vector.shape_cast %broadcast_in_dim3A_42 : vector<8x1xf32> to vector<8x1xf32>
      %broadcast_in_dim3A_55 = vector.broadcast %broadcast_in_dim3A_54 : vector<8x1xf32> to vector<8x512xf32>
      %select_n3A_56 = arith.select %eq3A_50, %broadcast_in_dim3A_55, %scan3A_31 : vector<8x512xi1>, vector<8x512xf32>
      %broadcast_in_dim3A_57 = vector.shape_cast %broadcast_in_dim3A_48 : vector<8x1xf32> to vector<8x1xf32>
      %broadcast_in_dim3A_58 = vector.broadcast %broadcast_in_dim3A_57 : vector<8x1xf32> to vector<8x512xf32>
      %select_n3A_59 = arith.select %eq3A_50, %broadcast_in_dim3A_58, %scan3A_32 : vector<8x512xi1>, vector<8x512xf32>
      %sub3A = vector.broadcast %broadcast_in_dim3A_36 : vector<8x1xf32> to vector<8x4096xf32>
      %sub3A_60 = arith.subf %get3A_1, %sub3A : vector<8x4096xf32>
      %sub3A_61 = vector.broadcast %broadcast_in_dim3A_42 : vector<8x1xf32> to vector<8x4096xf32>
      %sub3A_62 = arith.subf %get3A_4, %sub3A_61 : vector<8x4096xf32>
      %sub3A_63 = vector.broadcast %broadcast_in_dim3A_48 : vector<8x1xf32> to vector<8x4096xf32>
      %sub3A_64 = arith.subf %get3A_7, %sub3A_63 : vector<8x4096xf32>
      %mul3A = arith.mulf %sub3A_60, %sub3A_60 : vector<8x4096xf32>
      %mul3A_65 = arith.mulf %sub3A_62, %sub3A_62 : vector<8x4096xf32>
      %mul3A_66 = arith.mulf %sub3A_64, %sub3A_64 : vector<8x4096xf32>
      %add3A = arith.addf %mul3A_65, %mul3A_66 : vector<8x4096xf32>
      %add3A_67 = arith.addf %mul3A, %add3A : vector<8x4096xf32>
      %min3A = arith.minimumf %scan3A_28, %add3A_67 : vector<8x4096xf32>
      %reduce_max3A = arith.constant dense<0xFF800000> : vector<8xf32>
      %reduce_max3A_68 = vector.multi_reduction <maximumf>, %min3A, %reduce_max3A [1] : vector<8x4096xf32> to vector<8xf32>
      %broadcast_in_dim3A_69 = vector.shape_cast %reduce_max3A_68 : vector<8xf32> to vector<8x1xf32>
      %eq3A_70 = vector.broadcast %broadcast_in_dim3A_69 : vector<8x1xf32> to vector<8x4096xf32>
      %eq3A_71 = arith.cmpf oeq, %min3A, %eq3A_70 : vector<8x4096xf32>
      %jit3A_72 = arith.constant 4096 : i32
      %broadcast_in_dim3A_73 = vector.broadcast %jit3A_72 : i32 to vector<8x4096xi32>
      %select_n3A_74 = arith.select %eq3A_71, %iota3A, %broadcast_in_dim3A_73 : vector<8x4096xi1>, vector<8x4096xi32>
      %reduce_min3A = arith.constant dense<2147483647> : vector<8xi32>
      %reduce_min3A_75 = vector.multi_reduction <minsi>, %select_n3A_74, %reduce_min3A [1] : vector<8x4096xi32> to vector<8xi32>
      %broadcast_in_dim3A_76 = vector.shape_cast %reduce_min3A_75 : vector<8xi32> to vector<8x1xi32>
      scf.yield %min3A, %broadcast_in_dim3A_76, %select_n3A_53, %select_n3A_56, %select_n3A_59 : vector<8x4096xf32>, vector<8x1xi32>, vector<8x512xf32>, vector<8x512xf32>, vector<8x512xf32>
    }
    %scan3A_18 = arith.constant 512 : i32
    %swap3A = arith.constant 0 : index
    %swap3A_19 = arith.constant 0 : index
    %swap3A_20 = vector.load %arg3[%swap3A, %swap3A_19] : memref<8x512xf32, #tpu.memory_space<vmem>>, vector<8x512xf32>
    tpu.vector_store %arg3[%swap3A, %swap3A_19], %scan3A_17#2 {strides = array<i32>} : memref<8x512xf32, #tpu.memory_space<vmem>>, vector<8x512xf32>,
    %swap3A_21 = arith.constant 0 : index
    %swap3A_22 = arith.constant 0 : index
    %swap3A_23 = vector.load %arg4[%swap3A_21, %swap3A_22] : memref<8x512xf32, #tpu.memory_space<vmem>>, vector<8x512xf32>
    tpu.vector_store %arg4[%swap3A_21, %swap3A_22], %scan3A_17#3 {strides = array<i32>} : memref<8x512xf32, #tpu.memory_space<vmem>>, vector<8x512xf32>,
    %swap3A_24 = arith.constant 0 : index
    %swap3A_25 = arith.constant 0 : index
    %swap3A_26 = vector.load %arg5[%swap3A_24, %swap3A_25] : memref<8x512xf32, #tpu.memory_space<vmem>>, vector<8x512xf32>
    tpu.vector_store %arg5[%swap3A_24, %swap3A_25], %scan3A_17#4 {strides = array<i32>} : memref<8x512xf32, #tpu.memory_space<vmem>>, vector<8x512xf32>,
    return
  }
}

module attributes {stable_mosaic.version = 14 : i64} {
  func.func @_seltc_body(%arg0: i32, %arg1: memref<1x128x8xf32, #tpu.memory_space<vmem>>, %arg2: memref<1x8x4096xf32, #tpu.memory_space<vmem>>, %arg3: memref<1x128x32xi32, #tpu.memory_space<vmem>>, %arg4: memref<128x4096xf32, #tpu.memory_space<vmem>>) attributes {dimension_semantics = [#tpu.dimension_semantics<arbitrary>], iteration_bounds = array<i64: 32>, scalar_prefetch = 0 : i64, scratch_operands = 1 : i64, tpu.core_type = #tpu.core_type<tc>, window_params = [{transform_indices = @transform_0, window_bounds = array<i64: 1, 128, 8>}, {transform_indices = @transform_1, window_bounds = array<i64: 1, 8, 4096>}, {transform_indices = @transform_2, window_bounds = array<i64: 1, 128, 32>}]} {
    %get3A = arith.constant 0 : index
    %get3A_0 = arith.constant 0 : index
    %get3A_1 = arith.constant 0 : index
    %get3A_2 = vector.load %arg1[%get3A, %get3A_0, %get3A_1] : memref<1x128x8xf32, #tpu.memory_space<vmem>>, vector<1x128x8xf32>
    %get3A_3 = vector.shape_cast %get3A_2 : vector<1x128x8xf32> to vector<128x8xf32>
    %get3A_4 = arith.constant 0 : index
    %get3A_5 = arith.constant 0 : index
    %get3A_6 = arith.constant 0 : index
    %get3A_7 = vector.load %arg2[%get3A_4, %get3A_5, %get3A_6] : memref<1x8x4096xf32, #tpu.memory_space<vmem>>, vector<1x8x4096xf32>
    %get3A_8 = vector.shape_cast %get3A_7 : vector<1x8x4096xf32> to vector<8x4096xf32>
    %dot_general3A = arith.constant dense<0.000000e+00> : vector<128x4096xf32>
    %dot_general3A_9 = tpu.matmul %get3A_3, %get3A_8, %dot_general3A {dimension_numbers = #tpu.dot_dimension_numbers<[1], [0], [0], [1], [0, 0, 1, 1], [], []>, transpose_lhs_hint = false} : vector<128x8xf32>, vector<8x4096xf32>, vector<128x4096xf32> -> vector<128x4096xf32>
    %slice3A = vector.extract_strided_slice %get3A_3 {offsets = [0, 0], sizes = [128, 1], strides = [1, 1]} : vector<128x8xf32> to vector<128x1xf32>
    %slice3A_10 = vector.extract_strided_slice %get3A_3 {offsets = [0, 1], sizes = [128, 1], strides = [1, 1]} : vector<128x8xf32> to vector<128x1xf32>
    %slice3A_11 = vector.extract_strided_slice %get3A_3 {offsets = [0, 2], sizes = [128, 1], strides = [1, 1]} : vector<128x8xf32> to vector<128x1xf32>
    %mul3A = arith.mulf %slice3A, %slice3A : vector<128x1xf32>
    %mul3A_12 = arith.mulf %slice3A_10, %slice3A_10 : vector<128x1xf32>
    %add3A = arith.addf %mul3A, %mul3A_12 : vector<128x1xf32>
    %mul3A_13 = arith.mulf %slice3A_11, %slice3A_11 : vector<128x1xf32>
    %add3A_14 = arith.addf %add3A, %mul3A_13 : vector<128x1xf32>
    %slice3A_15 = vector.extract_strided_slice %get3A_8 {offsets = [0, 0], sizes = [1, 4096], strides = [1, 1]} : vector<8x4096xf32> to vector<1x4096xf32>
    %slice3A_16 = vector.extract_strided_slice %get3A_8 {offsets = [1, 0], sizes = [1, 4096], strides = [1, 1]} : vector<8x4096xf32> to vector<1x4096xf32>
    %slice3A_17 = vector.extract_strided_slice %get3A_8 {offsets = [2, 0], sizes = [1, 4096], strides = [1, 1]} : vector<8x4096xf32> to vector<1x4096xf32>
    %mul3A_18 = arith.mulf %slice3A_15, %slice3A_15 : vector<1x4096xf32>
    %mul3A_19 = arith.mulf %slice3A_16, %slice3A_16 : vector<1x4096xf32>
    %add3A_20 = arith.addf %mul3A_18, %mul3A_19 : vector<1x4096xf32>
    %mul3A_21 = arith.mulf %slice3A_17, %slice3A_17 : vector<1x4096xf32>
    %add3A_22 = arith.addf %add3A_20, %mul3A_21 : vector<1x4096xf32>
    %mul3A_23 = arith.constant -2.000000e+00 : f32
    %mul3A_24 = vector.broadcast %mul3A_23 : f32 to vector<128x4096xf32>
    %mul3A_25 = arith.mulf %mul3A_24, %dot_general3A_9 : vector<128x4096xf32>
    %add3A_26 = vector.broadcast %add3A_14 : vector<128x1xf32> to vector<128x4096xf32>
    %add3A_27 = arith.addf %mul3A_25, %add3A_26 : vector<128x4096xf32>
    %add3A_28 = vector.broadcast %add3A_22 : vector<1x4096xf32> to vector<128x4096xf32>
    %add3A_29 = arith.addf %add3A_27, %add3A_28 : vector<128x4096xf32>
    %le3A = arith.constant 4.000000e-02 : f32
    %le3A_30 = vector.broadcast %le3A : f32 to vector<128x4096xf32>
    %le3A_31 = arith.cmpf ole, %add3A_29, %le3A_30 : vector<128x4096xf32>
    %jit3A = arith.constant 0x7F800000 : f32
    %broadcast_in_dim3A = vector.broadcast %jit3A : f32 to vector<128x4096xf32>
    %select_n3A = arith.select %le3A_31, %add3A_29, %broadcast_in_dim3A : vector<128x4096xi1>, vector<128x4096xf32>
    %swap3A = arith.constant 0 : index
    %swap3A_32 = arith.constant 0 : index
    %swap3A_33 = vector.load %arg4[%swap3A, %swap3A_32] : memref<128x4096xf32, #tpu.memory_space<vmem>>, vector<128x4096xf32>
    tpu.vector_store %arg4[%swap3A, %swap3A_32], %select_n3A {strides = array<i32>} : memref<128x4096xf32, #tpu.memory_space<vmem>>, vector<128x4096xf32>,
    %iota3A = tpu.iota {dimensions = array<i32: 1>} : vector<8x4096xi32>
    %iota3A_34 = tpu.iota {dimensions = array<i32: 1>} : vector<8x32xi32>
    %broadcast_in_dim3A_35 = arith.constant 0 : i32
    %broadcast_in_dim3A_36 = vector.broadcast %broadcast_in_dim3A_35 : i32 to vector<8x32xi32>
    %broadcast_in_dim3A_37 = arith.constant 0.000000e+00 : f32
    %broadcast_in_dim3A_38 = vector.broadcast %broadcast_in_dim3A_37 : f32 to vector<8x32xf32>
    %scan3A = arith.constant 0 : i32
    %scan3A_39 = arith.constant 32 : i32
    %scan3A_40 = arith.addi %scan3A, %scan3A_39 : i32
    %scan3A_41 = arith.constant 1 : i32
    %scan3A_42:32 = scf.for %scan3A_303 = %scan3A to %scan3A_40 step %scan3A_41 iter_args(%scan3A_304 = %broadcast_in_dim3A_36, %scan3A_305 = %broadcast_in_dim3A_36, %scan3A_306 = %broadcast_in_dim3A_36, %scan3A_307 = %broadcast_in_dim3A_36, %scan3A_308 = %broadcast_in_dim3A_36, %scan3A_309 = %broadcast_in_dim3A_36, %scan3A_310 = %broadcast_in_dim3A_36, %scan3A_311 = %broadcast_in_dim3A_36, %scan3A_312 = %broadcast_in_dim3A_36, %scan3A_313 = %broadcast_in_dim3A_36, %scan3A_314 = %broadcast_in_dim3A_36, %scan3A_315 = %broadcast_in_dim3A_36, %scan3A_316 = %broadcast_in_dim3A_36, %scan3A_317 = %broadcast_in_dim3A_36, %scan3A_318 = %broadcast_in_dim3A_36, %scan3A_319 = %broadcast_in_dim3A_36, %scan3A_320 = %broadcast_in_dim3A_38, %scan3A_321 = %broadcast_in_dim3A_38, %scan3A_322 = %broadcast_in_dim3A_38, %scan3A_323 = %broadcast_in_dim3A_38, %scan3A_324 = %broadcast_in_dim3A_38, %scan3A_325 = %broadcast_in_dim3A_38, %scan3A_326 = %broadcast_in_dim3A_38, %scan3A_327 = %broadcast_in_dim3A_38, %scan3A_328 = %broadcast_in_dim3A_38, %scan3A_329 = %broadcast_in_dim3A_38, %scan3A_330 = %broadcast_in_dim3A_38, %scan3A_331 = %broadcast_in_dim3A_38, %scan3A_332 = %broadcast_in_dim3A_38, %scan3A_333 = %broadcast_in_dim3A_38, %scan3A_334 = %broadcast_in_dim3A_38, %scan3A_335 = %broadcast_in_dim3A_38) -> (vector<8x32xi32>, vector<8x32xi32>, vector<8x32xi32>, vector<8x32xi32>, vector<8x32xi32>, vector<8x32xi32>, vector<8x32xi32>, vector<8x32xi32>, vector<8x32xi32>, vector<8x32xi32>, vector<8x32xi32>, vector<8x32xi32>, vector<8x32xi32>, vector<8x32xi32>, vector<8x32xi32>, vector<8x32xi32>, vector<8x32xf32>, vector<8x32xf32>, vector<8x32xf32>, vector<8x32xf32>, vector<8x32xf32>, vector<8x32xf32>, vector<8x32xf32>, vector<8x32xf32>, vector<8x32xf32>, vector<8x32xf32>, vector<8x32xf32>, vector<8x32xf32>, vector<8x32xf32>, vector<8x32xf32>, vector<8x32xf32>, vector<8x32xf32>)  : i32 {
      %get3A_336 = arith.constant 0 : index
      %get3A_337 = arith.constant 0 : index
      %get3A_338 = vector.load %arg4[%get3A_336, %get3A_337] : memref<128x4096xf32, #tpu.memory_space<vmem>>, vector<8x4096xf32>
      %reduce_min3A = arith.constant dense<0x7F800000> : vector<8xf32>
      %reduce_min3A_339 = vector.multi_reduction <minimumf>, %get3A_338, %reduce_min3A [1] : vector<8x4096xf32> to vector<8xf32>
      %broadcast_in_dim3A_340 = vector.shape_cast %reduce_min3A_339 : vector<8xf32> to vector<8x1xf32>
      %eq3A = vector.broadcast %broadcast_in_dim3A_340 : vector<8x1xf32> to vector<8x4096xf32>
      %eq3A_341 = arith.cmpf oeq, %get3A_338, %eq3A : vector<8x4096xf32>
      %jit3A_342 = arith.constant 4096 : i32
      %broadcast_in_dim3A_343 = vector.broadcast %jit3A_342 : i32 to vector<8x4096xi32>
      %select_n3A_344 = arith.select %eq3A_341, %iota3A, %broadcast_in_dim3A_343 : vector<8x4096xi1>, vector<8x4096xi32>
      %reduce_min3A_345 = arith.constant dense<2147483647> : vector<8xi32>
      %reduce_min3A_346 = vector.multi_reduction <minsi>, %select_n3A_344, %reduce_min3A_345 [1] : vector<8x4096xi32> to vector<8xi32>
      %broadcast_in_dim3A_347 = vector.shape_cast %reduce_min3A_346 : vector<8xi32> to vector<8x1xi32>
      %eq3A_348 = vector.broadcast %scan3A_303 : i32 to vector<8x32xi32>
      %eq3A_349 = arith.cmpi eq, %iota3A_34, %eq3A_348 : vector<8x32xi32>
      %broadcast_in_dim3A_350 = vector.shape_cast %broadcast_in_dim3A_347 : vector<8x1xi32> to vector<8x1xi32>
      %broadcast_in_dim3A_351 = vector.broadcast %broadcast_in_dim3A_350 : vector<8x1xi32> to vector<8x32xi32>
      %select_n3A_352 = arith.select %eq3A_349, %broadcast_in_dim3A_351, %scan3A_304 : vector<8x32xi1>, vector<8x32xi32>
      %broadcast_in_dim3A_353 = vector.shape_cast %broadcast_in_dim3A_340 : vector<8x1xf32> to vector<8x1xf32>
      %broadcast_in_dim3A_354 = vector.broadcast %broadcast_in_dim3A_353 : vector<8x1xf32> to vector<8x32xf32>
      %select_n3A_355 = arith.select %eq3A_349, %broadcast_in_dim3A_354, %scan3A_320 : vector<8x32xi1>, vector<8x32xf32>
      %eq3A_356 = vector.broadcast %broadcast_in_dim3A_347 : vector<8x1xi32> to vector<8x4096xi32>
      %eq3A_357 = arith.cmpi eq, %iota3A, %eq3A_356 : vector<8x4096xi32>
      %jit3A_358 = arith.constant 0x7F800000 : f32
      %broadcast_in_dim3A_359 = vector.broadcast %jit3A_358 : f32 to vector<8x4096xf32>
      %select_n3A_360 = arith.select %eq3A_357, %broadcast_in_dim3A_359, %get3A_338 : vector<8x4096xi1>, vector<8x4096xf32>
      %swap3A_361 = arith.constant 0 : index
      %swap3A_362 = arith.constant 0 : index
      %swap3A_363 = vector.load %arg4[%swap3A_361, %swap3A_362] : memref<128x4096xf32, #tpu.memory_space<vmem>>, vector<8x4096xf32>
      tpu.vector_store %arg4[%swap3A_361, %swap3A_362], %select_n3A_360 {strides = array<i32>} : memref<128x4096xf32, #tpu.memory_space<vmem>>, vector<8x4096xf32>,
      %get3A_364 = arith.constant 8 : index
      %get3A_365 = arith.constant 0 : index
      %get3A_366 = vector.load %arg4[%get3A_364, %get3A_365] : memref<128x4096xf32, #tpu.memory_space<vmem>>, vector<8x4096xf32>
      %reduce_min3A_367 = arith.constant dense<0x7F800000> : vector<8xf32>
      %reduce_min3A_368 = vector.multi_reduction <minimumf>, %get3A_366, %reduce_min3A_367 [1] : vector<8x4096xf32> to vector<8xf32>
      %broadcast_in_dim3A_369 = vector.shape_cast %reduce_min3A_368 : vector<8xf32> to vector<8x1xf32>
      %eq3A_370 = vector.broadcast %broadcast_in_dim3A_369 : vector<8x1xf32> to vector<8x4096xf32>
      %eq3A_371 = arith.cmpf oeq, %get3A_366, %eq3A_370 : vector<8x4096xf32>
      %jit3A_372 = arith.constant 4096 : i32
      %broadcast_in_dim3A_373 = vector.broadcast %jit3A_372 : i32 to vector<8x4096xi32>
      %select_n3A_374 = arith.select %eq3A_371, %iota3A, %broadcast_in_dim3A_373 : vector<8x4096xi1>, vector<8x4096xi32>
      %reduce_min3A_375 = arith.constant dense<2147483647> : vector<8xi32>
      %reduce_min3A_376 = vector.multi_reduction <minsi>, %select_n3A_374, %reduce_min3A_375 [1] : vector<8x4096xi32> to vector<8xi32>
      %broadcast_in_dim3A_377 = vector.shape_cast %reduce_min3A_376 : vector<8xi32> to vector<8x1xi32>
      %eq3A_378 = vector.broadcast %scan3A_303 : i32 to vector<8x32xi32>
      %eq3A_379 = arith.cmpi eq, %iota3A_34, %eq3A_378 : vector<8x32xi32>
      %broadcast_in_dim3A_380 = vector.shape_cast %broadcast_in_dim3A_377 : vector<8x1xi32> to vector<8x1xi32>
      %broadcast_in_dim3A_381 = vector.broadcast %broadcast_in_dim3A_380 : vector<8x1xi32> to vector<8x32xi32>
      %select_n3A_382 = arith.select %eq3A_379, %broadcast_in_dim3A_381, %scan3A_305 : vector<8x32xi1>, vector<8x32xi32>
      %broadcast_in_dim3A_383 = vector.shape_cast %broadcast_in_dim3A_369 : vector<8x1xf32> to vector<8x1xf32>
      %broadcast_in_dim3A_384 = vector.broadcast %broadcast_in_dim3A_383 : vector<8x1xf32> to vector<8x32xf32>
      %select_n3A_385 = arith.select %eq3A_379, %broadcast_in_dim3A_384, %scan3A_321 : vector<8x32xi1>, vector<8x32xf32>
      %eq3A_386 = vector.broadcast %broadcast_in_dim3A_377 : vector<8x1xi32> to vector<8x4096xi32>
      %eq3A_387 = arith.cmpi eq, %iota3A, %eq3A_386 : vector<8x4096xi32>
      %jit3A_388 = arith.constant 0x7F800000 : f32
      %broadcast_in_dim3A_389 = vector.broadcast %jit3A_388 : f32 to vector<8x4096xf32>
      %select_n3A_390 = arith.select %eq3A_387, %broadcast_in_dim3A_389, %get3A_366 : vector<8x4096xi1>, vector<8x4096xf32>
      %swap3A_391 = arith.constant 8 : index
      %swap3A_392 = arith.constant 0 : index
      %swap3A_393 = vector.load %arg4[%swap3A_391, %swap3A_392] : memref<128x4096xf32, #tpu.memory_space<vmem>>, vector<8x4096xf32>
      tpu.vector_store %arg4[%swap3A_391, %swap3A_392], %select_n3A_390 {strides = array<i32>} : memref<128x4096xf32, #tpu.memory_space<vmem>>, vector<8x4096xf32>,
      %get3A_394 = arith.constant 16 : index
      %get3A_395 = arith.constant 0 : index
      %get3A_396 = vector.load %arg4[%get3A_394, %get3A_395] : memref<128x4096xf32, #tpu.memory_space<vmem>>, vector<8x4096xf32>
      %reduce_min3A_397 = arith.constant dense<0x7F800000> : vector<8xf32>
      %reduce_min3A_398 = vector.multi_reduction <minimumf>, %get3A_396, %reduce_min3A_397 [1] : vector<8x4096xf32> to vector<8xf32>
      %broadcast_in_dim3A_399 = vector.shape_cast %reduce_min3A_398 : vector<8xf32> to vector<8x1xf32>
      %eq3A_400 = vector.broadcast %broadcast_in_dim3A_399 : vector<8x1xf32> to vector<8x4096xf32>
      %eq3A_401 = arith.cmpf oeq, %get3A_396, %eq3A_400 : vector<8x4096xf32>
      %jit3A_402 = arith.constant 4096 : i32
      %broadcast_in_dim3A_403 = vector.broadcast %jit3A_402 : i32 to vector<8x4096xi32>
      %select_n3A_404 = arith.select %eq3A_401, %iota3A, %broadcast_in_dim3A_403 : vector<8x4096xi1>, vector<8x4096xi32>
      %reduce_min3A_405 = arith.constant dense<2147483647> : vector<8xi32>
      %reduce_min3A_406 = vector.multi_reduction <minsi>, %select_n3A_404, %reduce_min3A_405 [1] : vector<8x4096xi32> to vector<8xi32>
      %broadcast_in_dim3A_407 = vector.shape_cast %reduce_min3A_406 : vector<8xi32> to vector<8x1xi32>
      %eq3A_408 = vector.broadcast %scan3A_303 : i32 to vector<8x32xi32>
      %eq3A_409 = arith.cmpi eq, %iota3A_34, %eq3A_408 : vector<8x32xi32>
      %broadcast_in_dim3A_410 = vector.shape_cast %broadcast_in_dim3A_407 : vector<8x1xi32> to vector<8x1xi32>
      %broadcast_in_dim3A_411 = vector.broadcast %broadcast_in_dim3A_410 : vector<8x1xi32> to vector<8x32xi32>
      %select_n3A_412 = arith.select %eq3A_409, %broadcast_in_dim3A_411, %scan3A_306 : vector<8x32xi1>, vector<8x32xi32>
      %broadcast_in_dim3A_413 = vector.shape_cast %broadcast_in_dim3A_399 : vector<8x1xf32> to vector<8x1xf32>
      %broadcast_in_dim3A_414 = vector.broadcast %broadcast_in_dim3A_413 : vector<8x1xf32> to vector<8x32xf32>
      %select_n3A_415 = arith.select %eq3A_409, %broadcast_in_dim3A_414, %scan3A_322 : vector<8x32xi1>, vector<8x32xf32>
      %eq3A_416 = vector.broadcast %broadcast_in_dim3A_407 : vector<8x1xi32> to vector<8x4096xi32>
      %eq3A_417 = arith.cmpi eq, %iota3A, %eq3A_416 : vector<8x4096xi32>
      %jit3A_418 = arith.constant 0x7F800000 : f32
      %broadcast_in_dim3A_419 = vector.broadcast %jit3A_418 : f32 to vector<8x4096xf32>
      %select_n3A_420 = arith.select %eq3A_417, %broadcast_in_dim3A_419, %get3A_396 : vector<8x4096xi1>, vector<8x4096xf32>
      %swap3A_421 = arith.constant 16 : index
      %swap3A_422 = arith.constant 0 : index
      %swap3A_423 = vector.load %arg4[%swap3A_421, %swap3A_422] : memref<128x4096xf32, #tpu.memory_space<vmem>>, vector<8x4096xf32>
      tpu.vector_store %arg4[%swap3A_421, %swap3A_422], %select_n3A_420 {strides = array<i32>} : memref<128x4096xf32, #tpu.memory_space<vmem>>, vector<8x4096xf32>,
      %get3A_424 = arith.constant 24 : index
      %get3A_425 = arith.constant 0 : index
      %get3A_426 = vector.load %arg4[%get3A_424, %get3A_425] : memref<128x4096xf32, #tpu.memory_space<vmem>>, vector<8x4096xf32>
      %reduce_min3A_427 = arith.constant dense<0x7F800000> : vector<8xf32>
      %reduce_min3A_428 = vector.multi_reduction <minimumf>, %get3A_426, %reduce_min3A_427 [1] : vector<8x4096xf32> to vector<8xf32>
      %broadcast_in_dim3A_429 = vector.shape_cast %reduce_min3A_428 : vector<8xf32> to vector<8x1xf32>
      %eq3A_430 = vector.broadcast %broadcast_in_dim3A_429 : vector<8x1xf32> to vector<8x4096xf32>
      %eq3A_431 = arith.cmpf oeq, %get3A_426, %eq3A_430 : vector<8x4096xf32>
      %jit3A_432 = arith.constant 4096 : i32
      %broadcast_in_dim3A_433 = vector.broadcast %jit3A_432 : i32 to vector<8x4096xi32>
      %select_n3A_434 = arith.select %eq3A_431, %iota3A, %broadcast_in_dim3A_433 : vector<8x4096xi1>, vector<8x4096xi32>
      %reduce_min3A_435 = arith.constant dense<2147483647> : vector<8xi32>
      %reduce_min3A_436 = vector.multi_reduction <minsi>, %select_n3A_434, %reduce_min3A_435 [1] : vector<8x4096xi32> to vector<8xi32>
      %broadcast_in_dim3A_437 = vector.shape_cast %reduce_min3A_436 : vector<8xi32> to vector<8x1xi32>
      %eq3A_438 = vector.broadcast %scan3A_303 : i32 to vector<8x32xi32>
      %eq3A_439 = arith.cmpi eq, %iota3A_34, %eq3A_438 : vector<8x32xi32>
      %broadcast_in_dim3A_440 = vector.shape_cast %broadcast_in_dim3A_437 : vector<8x1xi32> to vector<8x1xi32>
      %broadcast_in_dim3A_441 = vector.broadcast %broadcast_in_dim3A_440 : vector<8x1xi32> to vector<8x32xi32>
      %select_n3A_442 = arith.select %eq3A_439, %broadcast_in_dim3A_441, %scan3A_307 : vector<8x32xi1>, vector<8x32xi32>
      %broadcast_in_dim3A_443 = vector.shape_cast %broadcast_in_dim3A_429 : vector<8x1xf32> to vector<8x1xf32>
      %broadcast_in_dim3A_444 = vector.broadcast %broadcast_in_dim3A_443 : vector<8x1xf32> to vector<8x32xf32>
      %select_n3A_445 = arith.select %eq3A_439, %broadcast_in_dim3A_444, %scan3A_323 : vector<8x32xi1>, vector<8x32xf32>
      %eq3A_446 = vector.broadcast %broadcast_in_dim3A_437 : vector<8x1xi32> to vector<8x4096xi32>
      %eq3A_447 = arith.cmpi eq, %iota3A, %eq3A_446 : vector<8x4096xi32>
      %jit3A_448 = arith.constant 0x7F800000 : f32
      %broadcast_in_dim3A_449 = vector.broadcast %jit3A_448 : f32 to vector<8x4096xf32>
      %select_n3A_450 = arith.select %eq3A_447, %broadcast_in_dim3A_449, %get3A_426 : vector<8x4096xi1>, vector<8x4096xf32>
      %swap3A_451 = arith.constant 24 : index
      %swap3A_452 = arith.constant 0 : index
      %swap3A_453 = vector.load %arg4[%swap3A_451, %swap3A_452] : memref<128x4096xf32, #tpu.memory_space<vmem>>, vector<8x4096xf32>
      tpu.vector_store %arg4[%swap3A_451, %swap3A_452], %select_n3A_450 {strides = array<i32>} : memref<128x4096xf32, #tpu.memory_space<vmem>>, vector<8x4096xf32>,
      %get3A_454 = arith.constant 32 : index
      %get3A_455 = arith.constant 0 : index
      %get3A_456 = vector.load %arg4[%get3A_454, %get3A_455] : memref<128x4096xf32, #tpu.memory_space<vmem>>, vector<8x4096xf32>
      %reduce_min3A_457 = arith.constant dense<0x7F800000> : vector<8xf32>
      %reduce_min3A_458 = vector.multi_reduction <minimumf>, %get3A_456, %reduce_min3A_457 [1] : vector<8x4096xf32> to vector<8xf32>
      %broadcast_in_dim3A_459 = vector.shape_cast %reduce_min3A_458 : vector<8xf32> to vector<8x1xf32>
      %eq3A_460 = vector.broadcast %broadcast_in_dim3A_459 : vector<8x1xf32> to vector<8x4096xf32>
      %eq3A_461 = arith.cmpf oeq, %get3A_456, %eq3A_460 : vector<8x4096xf32>
      %jit3A_462 = arith.constant 4096 : i32
      %broadcast_in_dim3A_463 = vector.broadcast %jit3A_462 : i32 to vector<8x4096xi32>
      %select_n3A_464 = arith.select %eq3A_461, %iota3A, %broadcast_in_dim3A_463 : vector<8x4096xi1>, vector<8x4096xi32>
      %reduce_min3A_465 = arith.constant dense<2147483647> : vector<8xi32>
      %reduce_min3A_466 = vector.multi_reduction <minsi>, %select_n3A_464, %reduce_min3A_465 [1] : vector<8x4096xi32> to vector<8xi32>
      %broadcast_in_dim3A_467 = vector.shape_cast %reduce_min3A_466 : vector<8xi32> to vector<8x1xi32>
      %eq3A_468 = vector.broadcast %scan3A_303 : i32 to vector<8x32xi32>
      %eq3A_469 = arith.cmpi eq, %iota3A_34, %eq3A_468 : vector<8x32xi32>
      %broadcast_in_dim3A_470 = vector.shape_cast %broadcast_in_dim3A_467 : vector<8x1xi32> to vector<8x1xi32>
      %broadcast_in_dim3A_471 = vector.broadcast %broadcast_in_dim3A_470 : vector<8x1xi32> to vector<8x32xi32>
      %select_n3A_472 = arith.select %eq3A_469, %broadcast_in_dim3A_471, %scan3A_308 : vector<8x32xi1>, vector<8x32xi32>
      %broadcast_in_dim3A_473 = vector.shape_cast %broadcast_in_dim3A_459 : vector<8x1xf32> to vector<8x1xf32>
      %broadcast_in_dim3A_474 = vector.broadcast %broadcast_in_dim3A_473 : vector<8x1xf32> to vector<8x32xf32>
      %select_n3A_475 = arith.select %eq3A_469, %broadcast_in_dim3A_474, %scan3A_324 : vector<8x32xi1>, vector<8x32xf32>
      %eq3A_476 = vector.broadcast %broadcast_in_dim3A_467 : vector<8x1xi32> to vector<8x4096xi32>
      %eq3A_477 = arith.cmpi eq, %iota3A, %eq3A_476 : vector<8x4096xi32>
      %jit3A_478 = arith.constant 0x7F800000 : f32
      %broadcast_in_dim3A_479 = vector.broadcast %jit3A_478 : f32 to vector<8x4096xf32>
      %select_n3A_480 = arith.select %eq3A_477, %broadcast_in_dim3A_479, %get3A_456 : vector<8x4096xi1>, vector<8x4096xf32>
      %swap3A_481 = arith.constant 32 : index
      %swap3A_482 = arith.constant 0 : index
      %swap3A_483 = vector.load %arg4[%swap3A_481, %swap3A_482] : memref<128x4096xf32, #tpu.memory_space<vmem>>, vector<8x4096xf32>
      tpu.vector_store %arg4[%swap3A_481, %swap3A_482], %select_n3A_480 {strides = array<i32>} : memref<128x4096xf32, #tpu.memory_space<vmem>>, vector<8x4096xf32>,
      %get3A_484 = arith.constant 40 : index
      %get3A_485 = arith.constant 0 : index
      %get3A_486 = vector.load %arg4[%get3A_484, %get3A_485] : memref<128x4096xf32, #tpu.memory_space<vmem>>, vector<8x4096xf32>
      %reduce_min3A_487 = arith.constant dense<0x7F800000> : vector<8xf32>
      %reduce_min3A_488 = vector.multi_reduction <minimumf>, %get3A_486, %reduce_min3A_487 [1] : vector<8x4096xf32> to vector<8xf32>
      %broadcast_in_dim3A_489 = vector.shape_cast %reduce_min3A_488 : vector<8xf32> to vector<8x1xf32>
      %eq3A_490 = vector.broadcast %broadcast_in_dim3A_489 : vector<8x1xf32> to vector<8x4096xf32>
      %eq3A_491 = arith.cmpf oeq, %get3A_486, %eq3A_490 : vector<8x4096xf32>
      %jit3A_492 = arith.constant 4096 : i32
      %broadcast_in_dim3A_493 = vector.broadcast %jit3A_492 : i32 to vector<8x4096xi32>
      %select_n3A_494 = arith.select %eq3A_491, %iota3A, %broadcast_in_dim3A_493 : vector<8x4096xi1>, vector<8x4096xi32>
      %reduce_min3A_495 = arith.constant dense<2147483647> : vector<8xi32>
      %reduce_min3A_496 = vector.multi_reduction <minsi>, %select_n3A_494, %reduce_min3A_495 [1] : vector<8x4096xi32> to vector<8xi32>
      %broadcast_in_dim3A_497 = vector.shape_cast %reduce_min3A_496 : vector<8xi32> to vector<8x1xi32>
      %eq3A_498 = vector.broadcast %scan3A_303 : i32 to vector<8x32xi32>
      %eq3A_499 = arith.cmpi eq, %iota3A_34, %eq3A_498 : vector<8x32xi32>
      %broadcast_in_dim3A_500 = vector.shape_cast %broadcast_in_dim3A_497 : vector<8x1xi32> to vector<8x1xi32>
      %broadcast_in_dim3A_501 = vector.broadcast %broadcast_in_dim3A_500 : vector<8x1xi32> to vector<8x32xi32>
      %select_n3A_502 = arith.select %eq3A_499, %broadcast_in_dim3A_501, %scan3A_309 : vector<8x32xi1>, vector<8x32xi32>
      %broadcast_in_dim3A_503 = vector.shape_cast %broadcast_in_dim3A_489 : vector<8x1xf32> to vector<8x1xf32>
      %broadcast_in_dim3A_504 = vector.broadcast %broadcast_in_dim3A_503 : vector<8x1xf32> to vector<8x32xf32>
      %select_n3A_505 = arith.select %eq3A_499, %broadcast_in_dim3A_504, %scan3A_325 : vector<8x32xi1>, vector<8x32xf32>
      %eq3A_506 = vector.broadcast %broadcast_in_dim3A_497 : vector<8x1xi32> to vector<8x4096xi32>
      %eq3A_507 = arith.cmpi eq, %iota3A, %eq3A_506 : vector<8x4096xi32>
      %jit3A_508 = arith.constant 0x7F800000 : f32
      %broadcast_in_dim3A_509 = vector.broadcast %jit3A_508 : f32 to vector<8x4096xf32>
      %select_n3A_510 = arith.select %eq3A_507, %broadcast_in_dim3A_509, %get3A_486 : vector<8x4096xi1>, vector<8x4096xf32>
      %swap3A_511 = arith.constant 40 : index
      %swap3A_512 = arith.constant 0 : index
      %swap3A_513 = vector.load %arg4[%swap3A_511, %swap3A_512] : memref<128x4096xf32, #tpu.memory_space<vmem>>, vector<8x4096xf32>
      tpu.vector_store %arg4[%swap3A_511, %swap3A_512], %select_n3A_510 {strides = array<i32>} : memref<128x4096xf32, #tpu.memory_space<vmem>>, vector<8x4096xf32>,
      %get3A_514 = arith.constant 48 : index
      %get3A_515 = arith.constant 0 : index
      %get3A_516 = vector.load %arg4[%get3A_514, %get3A_515] : memref<128x4096xf32, #tpu.memory_space<vmem>>, vector<8x4096xf32>
      %reduce_min3A_517 = arith.constant dense<0x7F800000> : vector<8xf32>
      %reduce_min3A_518 = vector.multi_reduction <minimumf>, %get3A_516, %reduce_min3A_517 [1] : vector<8x4096xf32> to vector<8xf32>
      %broadcast_in_dim3A_519 = vector.shape_cast %reduce_min3A_518 : vector<8xf32> to vector<8x1xf32>
      %eq3A_520 = vector.broadcast %broadcast_in_dim3A_519 : vector<8x1xf32> to vector<8x4096xf32>
      %eq3A_521 = arith.cmpf oeq, %get3A_516, %eq3A_520 : vector<8x4096xf32>
      %jit3A_522 = arith.constant 4096 : i32
      %broadcast_in_dim3A_523 = vector.broadcast %jit3A_522 : i32 to vector<8x4096xi32>
      %select_n3A_524 = arith.select %eq3A_521, %iota3A, %broadcast_in_dim3A_523 : vector<8x4096xi1>, vector<8x4096xi32>
      %reduce_min3A_525 = arith.constant dense<2147483647> : vector<8xi32>
      %reduce_min3A_526 = vector.multi_reduction <minsi>, %select_n3A_524, %reduce_min3A_525 [1] : vector<8x4096xi32> to vector<8xi32>
      %broadcast_in_dim3A_527 = vector.shape_cast %reduce_min3A_526 : vector<8xi32> to vector<8x1xi32>
      %eq3A_528 = vector.broadcast %scan3A_303 : i32 to vector<8x32xi32>
      %eq3A_529 = arith.cmpi eq, %iota3A_34, %eq3A_528 : vector<8x32xi32>
      %broadcast_in_dim3A_530 = vector.shape_cast %broadcast_in_dim3A_527 : vector<8x1xi32> to vector<8x1xi32>
      %broadcast_in_dim3A_531 = vector.broadcast %broadcast_in_dim3A_530 : vector<8x1xi32> to vector<8x32xi32>
      %select_n3A_532 = arith.select %eq3A_529, %broadcast_in_dim3A_531, %scan3A_310 : vector<8x32xi1>, vector<8x32xi32>
      %broadcast_in_dim3A_533 = vector.shape_cast %broadcast_in_dim3A_519 : vector<8x1xf32> to vector<8x1xf32>
      %broadcast_in_dim3A_534 = vector.broadcast %broadcast_in_dim3A_533 : vector<8x1xf32> to vector<8x32xf32>
      %select_n3A_535 = arith.select %eq3A_529, %broadcast_in_dim3A_534, %scan3A_326 : vector<8x32xi1>, vector<8x32xf32>
      %eq3A_536 = vector.broadcast %broadcast_in_dim3A_527 : vector<8x1xi32> to vector<8x4096xi32>
      %eq3A_537 = arith.cmpi eq, %iota3A, %eq3A_536 : vector<8x4096xi32>
      %jit3A_538 = arith.constant 0x7F800000 : f32
      %broadcast_in_dim3A_539 = vector.broadcast %jit3A_538 : f32 to vector<8x4096xf32>
      %select_n3A_540 = arith.select %eq3A_537, %broadcast_in_dim3A_539, %get3A_516 : vector<8x4096xi1>, vector<8x4096xf32>
      %swap3A_541 = arith.constant 48 : index
      %swap3A_542 = arith.constant 0 : index
      %swap3A_543 = vector.load %arg4[%swap3A_541, %swap3A_542] : memref<128x4096xf32, #tpu.memory_space<vmem>>, vector<8x4096xf32>
      tpu.vector_store %arg4[%swap3A_541, %swap3A_542], %select_n3A_540 {strides = array<i32>} : memref<128x4096xf32, #tpu.memory_space<vmem>>, vector<8x4096xf32>,
      %get3A_544 = arith.constant 56 : index
      %get3A_545 = arith.constant 0 : index
      %get3A_546 = vector.load %arg4[%get3A_544, %get3A_545] : memref<128x4096xf32, #tpu.memory_space<vmem>>, vector<8x4096xf32>
      %reduce_min3A_547 = arith.constant dense<0x7F800000> : vector<8xf32>
      %reduce_min3A_548 = vector.multi_reduction <minimumf>, %get3A_546, %reduce_min3A_547 [1] : vector<8x4096xf32> to vector<8xf32>
      %broadcast_in_dim3A_549 = vector.shape_cast %reduce_min3A_548 : vector<8xf32> to vector<8x1xf32>
      %eq3A_550 = vector.broadcast %broadcast_in_dim3A_549 : vector<8x1xf32> to vector<8x4096xf32>
      %eq3A_551 = arith.cmpf oeq, %get3A_546, %eq3A_550 : vector<8x4096xf32>
      %jit3A_552 = arith.constant 4096 : i32
      %broadcast_in_dim3A_553 = vector.broadcast %jit3A_552 : i32 to vector<8x4096xi32>
      %select_n3A_554 = arith.select %eq3A_551, %iota3A, %broadcast_in_dim3A_553 : vector<8x4096xi1>, vector<8x4096xi32>
      %reduce_min3A_555 = arith.constant dense<2147483647> : vector<8xi32>
      %reduce_min3A_556 = vector.multi_reduction <minsi>, %select_n3A_554, %reduce_min3A_555 [1] : vector<8x4096xi32> to vector<8xi32>
      %broadcast_in_dim3A_557 = vector.shape_cast %reduce_min3A_556 : vector<8xi32> to vector<8x1xi32>
      %eq3A_558 = vector.broadcast %scan3A_303 : i32 to vector<8x32xi32>
      %eq3A_559 = arith.cmpi eq, %iota3A_34, %eq3A_558 : vector<8x32xi32>
      %broadcast_in_dim3A_560 = vector.shape_cast %broadcast_in_dim3A_557 : vector<8x1xi32> to vector<8x1xi32>
      %broadcast_in_dim3A_561 = vector.broadcast %broadcast_in_dim3A_560 : vector<8x1xi32> to vector<8x32xi32>
      %select_n3A_562 = arith.select %eq3A_559, %broadcast_in_dim3A_561, %scan3A_311 : vector<8x32xi1>, vector<8x32xi32>
      %broadcast_in_dim3A_563 = vector.shape_cast %broadcast_in_dim3A_549 : vector<8x1xf32> to vector<8x1xf32>
      %broadcast_in_dim3A_564 = vector.broadcast %broadcast_in_dim3A_563 : vector<8x1xf32> to vector<8x32xf32>
      %select_n3A_565 = arith.select %eq3A_559, %broadcast_in_dim3A_564, %scan3A_327 : vector<8x32xi1>, vector<8x32xf32>
      %eq3A_566 = vector.broadcast %broadcast_in_dim3A_557 : vector<8x1xi32> to vector<8x4096xi32>
      %eq3A_567 = arith.cmpi eq, %iota3A, %eq3A_566 : vector<8x4096xi32>
      %jit3A_568 = arith.constant 0x7F800000 : f32
      %broadcast_in_dim3A_569 = vector.broadcast %jit3A_568 : f32 to vector<8x4096xf32>
      %select_n3A_570 = arith.select %eq3A_567, %broadcast_in_dim3A_569, %get3A_546 : vector<8x4096xi1>, vector<8x4096xf32>
      %swap3A_571 = arith.constant 56 : index
      %swap3A_572 = arith.constant 0 : index
      %swap3A_573 = vector.load %arg4[%swap3A_571, %swap3A_572] : memref<128x4096xf32, #tpu.memory_space<vmem>>, vector<8x4096xf32>
      tpu.vector_store %arg4[%swap3A_571, %swap3A_572], %select_n3A_570 {strides = array<i32>} : memref<128x4096xf32, #tpu.memory_space<vmem>>, vector<8x4096xf32>,
      %get3A_574 = arith.constant 64 : index
      %get3A_575 = arith.constant 0 : index
      %get3A_576 = vector.load %arg4[%get3A_574, %get3A_575] : memref<128x4096xf32, #tpu.memory_space<vmem>>, vector<8x4096xf32>
      %reduce_min3A_577 = arith.constant dense<0x7F800000> : vector<8xf32>
      %reduce_min3A_578 = vector.multi_reduction <minimumf>, %get3A_576, %reduce_min3A_577 [1] : vector<8x4096xf32> to vector<8xf32>
      %broadcast_in_dim3A_579 = vector.shape_cast %reduce_min3A_578 : vector<8xf32> to vector<8x1xf32>
      %eq3A_580 = vector.broadcast %broadcast_in_dim3A_579 : vector<8x1xf32> to vector<8x4096xf32>
      %eq3A_581 = arith.cmpf oeq, %get3A_576, %eq3A_580 : vector<8x4096xf32>
      %jit3A_582 = arith.constant 4096 : i32
      %broadcast_in_dim3A_583 = vector.broadcast %jit3A_582 : i32 to vector<8x4096xi32>
      %select_n3A_584 = arith.select %eq3A_581, %iota3A, %broadcast_in_dim3A_583 : vector<8x4096xi1>, vector<8x4096xi32>
      %reduce_min3A_585 = arith.constant dense<2147483647> : vector<8xi32>
      %reduce_min3A_586 = vector.multi_reduction <minsi>, %select_n3A_584, %reduce_min3A_585 [1] : vector<8x4096xi32> to vector<8xi32>
      %broadcast_in_dim3A_587 = vector.shape_cast %reduce_min3A_586 : vector<8xi32> to vector<8x1xi32>
      %eq3A_588 = vector.broadcast %scan3A_303 : i32 to vector<8x32xi32>
      %eq3A_589 = arith.cmpi eq, %iota3A_34, %eq3A_588 : vector<8x32xi32>
      %broadcast_in_dim3A_590 = vector.shape_cast %broadcast_in_dim3A_587 : vector<8x1xi32> to vector<8x1xi32>
      %broadcast_in_dim3A_591 = vector.broadcast %broadcast_in_dim3A_590 : vector<8x1xi32> to vector<8x32xi32>
      %select_n3A_592 = arith.select %eq3A_589, %broadcast_in_dim3A_591, %scan3A_312 : vector<8x32xi1>, vector<8x32xi32>
      %broadcast_in_dim3A_593 = vector.shape_cast %broadcast_in_dim3A_579 : vector<8x1xf32> to vector<8x1xf32>
      %broadcast_in_dim3A_594 = vector.broadcast %broadcast_in_dim3A_593 : vector<8x1xf32> to vector<8x32xf32>
      %select_n3A_595 = arith.select %eq3A_589, %broadcast_in_dim3A_594, %scan3A_328 : vector<8x32xi1>, vector<8x32xf32>
      %eq3A_596 = vector.broadcast %broadcast_in_dim3A_587 : vector<8x1xi32> to vector<8x4096xi32>
      %eq3A_597 = arith.cmpi eq, %iota3A, %eq3A_596 : vector<8x4096xi32>
      %jit3A_598 = arith.constant 0x7F800000 : f32
      %broadcast_in_dim3A_599 = vector.broadcast %jit3A_598 : f32 to vector<8x4096xf32>
      %select_n3A_600 = arith.select %eq3A_597, %broadcast_in_dim3A_599, %get3A_576 : vector<8x4096xi1>, vector<8x4096xf32>
      %swap3A_601 = arith.constant 64 : index
      %swap3A_602 = arith.constant 0 : index
      %swap3A_603 = vector.load %arg4[%swap3A_601, %swap3A_602] : memref<128x4096xf32, #tpu.memory_space<vmem>>, vector<8x4096xf32>
      tpu.vector_store %arg4[%swap3A_601, %swap3A_602], %select_n3A_600 {strides = array<i32>} : memref<128x4096xf32, #tpu.memory_space<vmem>>, vector<8x4096xf32>,
      %get3A_604 = arith.constant 72 : index
      %get3A_605 = arith.constant 0 : index
      %get3A_606 = vector.load %arg4[%get3A_604, %get3A_605] : memref<128x4096xf32, #tpu.memory_space<vmem>>, vector<8x4096xf32>
      %reduce_min3A_607 = arith.constant dense<0x7F800000> : vector<8xf32>
      %reduce_min3A_608 = vector.multi_reduction <minimumf>, %get3A_606, %reduce_min3A_607 [1] : vector<8x4096xf32> to vector<8xf32>
      %broadcast_in_dim3A_609 = vector.shape_cast %reduce_min3A_608 : vector<8xf32> to vector<8x1xf32>
      %eq3A_610 = vector.broadcast %broadcast_in_dim3A_609 : vector<8x1xf32> to vector<8x4096xf32>
      %eq3A_611 = arith.cmpf oeq, %get3A_606, %eq3A_610 : vector<8x4096xf32>
      %jit3A_612 = arith.constant 4096 : i32
      %broadcast_in_dim3A_613 = vector.broadcast %jit3A_612 : i32 to vector<8x4096xi32>
      %select_n3A_614 = arith.select %eq3A_611, %iota3A, %broadcast_in_dim3A_613 : vector<8x4096xi1>, vector<8x4096xi32>
      %reduce_min3A_615 = arith.constant dense<2147483647> : vector<8xi32>
      %reduce_min3A_616 = vector.multi_reduction <minsi>, %select_n3A_614, %reduce_min3A_615 [1] : vector<8x4096xi32> to vector<8xi32>
      %broadcast_in_dim3A_617 = vector.shape_cast %reduce_min3A_616 : vector<8xi32> to vector<8x1xi32>
      %eq3A_618 = vector.broadcast %scan3A_303 : i32 to vector<8x32xi32>
      %eq3A_619 = arith.cmpi eq, %iota3A_34, %eq3A_618 : vector<8x32xi32>
      %broadcast_in_dim3A_620 = vector.shape_cast %broadcast_in_dim3A_617 : vector<8x1xi32> to vector<8x1xi32>
      %broadcast_in_dim3A_621 = vector.broadcast %broadcast_in_dim3A_620 : vector<8x1xi32> to vector<8x32xi32>
      %select_n3A_622 = arith.select %eq3A_619, %broadcast_in_dim3A_621, %scan3A_313 : vector<8x32xi1>, vector<8x32xi32>
      %broadcast_in_dim3A_623 = vector.shape_cast %broadcast_in_dim3A_609 : vector<8x1xf32> to vector<8x1xf32>
      %broadcast_in_dim3A_624 = vector.broadcast %broadcast_in_dim3A_623 : vector<8x1xf32> to vector<8x32xf32>
      %select_n3A_625 = arith.select %eq3A_619, %broadcast_in_dim3A_624, %scan3A_329 : vector<8x32xi1>, vector<8x32xf32>
      %eq3A_626 = vector.broadcast %broadcast_in_dim3A_617 : vector<8x1xi32> to vector<8x4096xi32>
      %eq3A_627 = arith.cmpi eq, %iota3A, %eq3A_626 : vector<8x4096xi32>
      %jit3A_628 = arith.constant 0x7F800000 : f32
      %broadcast_in_dim3A_629 = vector.broadcast %jit3A_628 : f32 to vector<8x4096xf32>
      %select_n3A_630 = arith.select %eq3A_627, %broadcast_in_dim3A_629, %get3A_606 : vector<8x4096xi1>, vector<8x4096xf32>
      %swap3A_631 = arith.constant 72 : index
      %swap3A_632 = arith.constant 0 : index
      %swap3A_633 = vector.load %arg4[%swap3A_631, %swap3A_632] : memref<128x4096xf32, #tpu.memory_space<vmem>>, vector<8x4096xf32>
      tpu.vector_store %arg4[%swap3A_631, %swap3A_632], %select_n3A_630 {strides = array<i32>} : memref<128x4096xf32, #tpu.memory_space<vmem>>, vector<8x4096xf32>,
      %get3A_634 = arith.constant 80 : index
      %get3A_635 = arith.constant 0 : index
      %get3A_636 = vector.load %arg4[%get3A_634, %get3A_635] : memref<128x4096xf32, #tpu.memory_space<vmem>>, vector<8x4096xf32>
      %reduce_min3A_637 = arith.constant dense<0x7F800000> : vector<8xf32>
      %reduce_min3A_638 = vector.multi_reduction <minimumf>, %get3A_636, %reduce_min3A_637 [1] : vector<8x4096xf32> to vector<8xf32>
      %broadcast_in_dim3A_639 = vector.shape_cast %reduce_min3A_638 : vector<8xf32> to vector<8x1xf32>
      %eq3A_640 = vector.broadcast %broadcast_in_dim3A_639 : vector<8x1xf32> to vector<8x4096xf32>
      %eq3A_641 = arith.cmpf oeq, %get3A_636, %eq3A_640 : vector<8x4096xf32>
      %jit3A_642 = arith.constant 4096 : i32
      %broadcast_in_dim3A_643 = vector.broadcast %jit3A_642 : i32 to vector<8x4096xi32>
      %select_n3A_644 = arith.select %eq3A_641, %iota3A, %broadcast_in_dim3A_643 : vector<8x4096xi1>, vector<8x4096xi32>
      %reduce_min3A_645 = arith.constant dense<2147483647> : vector<8xi32>
      %reduce_min3A_646 = vector.multi_reduction <minsi>, %select_n3A_644, %reduce_min3A_645 [1] : vector<8x4096xi32> to vector<8xi32>
      %broadcast_in_dim3A_647 = vector.shape_cast %reduce_min3A_646 : vector<8xi32> to vector<8x1xi32>
      %eq3A_648 = vector.broadcast %scan3A_303 : i32 to vector<8x32xi32>
      %eq3A_649 = arith.cmpi eq, %iota3A_34, %eq3A_648 : vector<8x32xi32>
      %broadcast_in_dim3A_650 = vector.shape_cast %broadcast_in_dim3A_647 : vector<8x1xi32> to vector<8x1xi32>
      %broadcast_in_dim3A_651 = vector.broadcast %broadcast_in_dim3A_650 : vector<8x1xi32> to vector<8x32xi32>
      %select_n3A_652 = arith.select %eq3A_649, %broadcast_in_dim3A_651, %scan3A_314 : vector<8x32xi1>, vector<8x32xi32>
      %broadcast_in_dim3A_653 = vector.shape_cast %broadcast_in_dim3A_639 : vector<8x1xf32> to vector<8x1xf32>
      %broadcast_in_dim3A_654 = vector.broadcast %broadcast_in_dim3A_653 : vector<8x1xf32> to vector<8x32xf32>
      %select_n3A_655 = arith.select %eq3A_649, %broadcast_in_dim3A_654, %scan3A_330 : vector<8x32xi1>, vector<8x32xf32>
      %eq3A_656 = vector.broadcast %broadcast_in_dim3A_647 : vector<8x1xi32> to vector<8x4096xi32>
      %eq3A_657 = arith.cmpi eq, %iota3A, %eq3A_656 : vector<8x4096xi32>
      %jit3A_658 = arith.constant 0x7F800000 : f32
      %broadcast_in_dim3A_659 = vector.broadcast %jit3A_658 : f32 to vector<8x4096xf32>
      %select_n3A_660 = arith.select %eq3A_657, %broadcast_in_dim3A_659, %get3A_636 : vector<8x4096xi1>, vector<8x4096xf32>
      %swap3A_661 = arith.constant 80 : index
      %swap3A_662 = arith.constant 0 : index
      %swap3A_663 = vector.load %arg4[%swap3A_661, %swap3A_662] : memref<128x4096xf32, #tpu.memory_space<vmem>>, vector<8x4096xf32>
      tpu.vector_store %arg4[%swap3A_661, %swap3A_662], %select_n3A_660 {strides = array<i32>} : memref<128x4096xf32, #tpu.memory_space<vmem>>, vector<8x4096xf32>,
      %get3A_664 = arith.constant 88 : index
      %get3A_665 = arith.constant 0 : index
      %get3A_666 = vector.load %arg4[%get3A_664, %get3A_665] : memref<128x4096xf32, #tpu.memory_space<vmem>>, vector<8x4096xf32>
      %reduce_min3A_667 = arith.constant dense<0x7F800000> : vector<8xf32>
      %reduce_min3A_668 = vector.multi_reduction <minimumf>, %get3A_666, %reduce_min3A_667 [1] : vector<8x4096xf32> to vector<8xf32>
      %broadcast_in_dim3A_669 = vector.shape_cast %reduce_min3A_668 : vector<8xf32> to vector<8x1xf32>
      %eq3A_670 = vector.broadcast %broadcast_in_dim3A_669 : vector<8x1xf32> to vector<8x4096xf32>
      %eq3A_671 = arith.cmpf oeq, %get3A_666, %eq3A_670 : vector<8x4096xf32>
      %jit3A_672 = arith.constant 4096 : i32
      %broadcast_in_dim3A_673 = vector.broadcast %jit3A_672 : i32 to vector<8x4096xi32>
      %select_n3A_674 = arith.select %eq3A_671, %iota3A, %broadcast_in_dim3A_673 : vector<8x4096xi1>, vector<8x4096xi32>
      %reduce_min3A_675 = arith.constant dense<2147483647> : vector<8xi32>
      %reduce_min3A_676 = vector.multi_reduction <minsi>, %select_n3A_674, %reduce_min3A_675 [1] : vector<8x4096xi32> to vector<8xi32>
      %broadcast_in_dim3A_677 = vector.shape_cast %reduce_min3A_676 : vector<8xi32> to vector<8x1xi32>
      %eq3A_678 = vector.broadcast %scan3A_303 : i32 to vector<8x32xi32>
      %eq3A_679 = arith.cmpi eq, %iota3A_34, %eq3A_678 : vector<8x32xi32>
      %broadcast_in_dim3A_680 = vector.shape_cast %broadcast_in_dim3A_677 : vector<8x1xi32> to vector<8x1xi32>
      %broadcast_in_dim3A_681 = vector.broadcast %broadcast_in_dim3A_680 : vector<8x1xi32> to vector<8x32xi32>
      %select_n3A_682 = arith.select %eq3A_679, %broadcast_in_dim3A_681, %scan3A_315 : vector<8x32xi1>, vector<8x32xi32>
      %broadcast_in_dim3A_683 = vector.shape_cast %broadcast_in_dim3A_669 : vector<8x1xf32> to vector<8x1xf32>
      %broadcast_in_dim3A_684 = vector.broadcast %broadcast_in_dim3A_683 : vector<8x1xf32> to vector<8x32xf32>
      %select_n3A_685 = arith.select %eq3A_679, %broadcast_in_dim3A_684, %scan3A_331 : vector<8x32xi1>, vector<8x32xf32>
      %eq3A_686 = vector.broadcast %broadcast_in_dim3A_677 : vector<8x1xi32> to vector<8x4096xi32>
      %eq3A_687 = arith.cmpi eq, %iota3A, %eq3A_686 : vector<8x4096xi32>
      %jit3A_688 = arith.constant 0x7F800000 : f32
      %broadcast_in_dim3A_689 = vector.broadcast %jit3A_688 : f32 to vector<8x4096xf32>
      %select_n3A_690 = arith.select %eq3A_687, %broadcast_in_dim3A_689, %get3A_666 : vector<8x4096xi1>, vector<8x4096xf32>
      %swap3A_691 = arith.constant 88 : index
      %swap3A_692 = arith.constant 0 : index
      %swap3A_693 = vector.load %arg4[%swap3A_691, %swap3A_692] : memref<128x4096xf32, #tpu.memory_space<vmem>>, vector<8x4096xf32>
      tpu.vector_store %arg4[%swap3A_691, %swap3A_692], %select_n3A_690 {strides = array<i32>} : memref<128x4096xf32, #tpu.memory_space<vmem>>, vector<8x4096xf32>,
      %get3A_694 = arith.constant 96 : index
      %get3A_695 = arith.constant 0 : index
      %get3A_696 = vector.load %arg4[%get3A_694, %get3A_695] : memref<128x4096xf32, #tpu.memory_space<vmem>>, vector<8x4096xf32>
      %reduce_min3A_697 = arith.constant dense<0x7F800000> : vector<8xf32>
      %reduce_min3A_698 = vector.multi_reduction <minimumf>, %get3A_696, %reduce_min3A_697 [1] : vector<8x4096xf32> to vector<8xf32>
      %broadcast_in_dim3A_699 = vector.shape_cast %reduce_min3A_698 : vector<8xf32> to vector<8x1xf32>
      %eq3A_700 = vector.broadcast %broadcast_in_dim3A_699 : vector<8x1xf32> to vector<8x4096xf32>
      %eq3A_701 = arith.cmpf oeq, %get3A_696, %eq3A_700 : vector<8x4096xf32>
      %jit3A_702 = arith.constant 4096 : i32
      %broadcast_in_dim3A_703 = vector.broadcast %jit3A_702 : i32 to vector<8x4096xi32>
      %select_n3A_704 = arith.select %eq3A_701, %iota3A, %broadcast_in_dim3A_703 : vector<8x4096xi1>, vector<8x4096xi32>
      %reduce_min3A_705 = arith.constant dense<2147483647> : vector<8xi32>
      %reduce_min3A_706 = vector.multi_reduction <minsi>, %select_n3A_704, %reduce_min3A_705 [1] : vector<8x4096xi32> to vector<8xi32>
      %broadcast_in_dim3A_707 = vector.shape_cast %reduce_min3A_706 : vector<8xi32> to vector<8x1xi32>
      %eq3A_708 = vector.broadcast %scan3A_303 : i32 to vector<8x32xi32>
      %eq3A_709 = arith.cmpi eq, %iota3A_34, %eq3A_708 : vector<8x32xi32>
      %broadcast_in_dim3A_710 = vector.shape_cast %broadcast_in_dim3A_707 : vector<8x1xi32> to vector<8x1xi32>
      %broadcast_in_dim3A_711 = vector.broadcast %broadcast_in_dim3A_710 : vector<8x1xi32> to vector<8x32xi32>
      %select_n3A_712 = arith.select %eq3A_709, %broadcast_in_dim3A_711, %scan3A_316 : vector<8x32xi1>, vector<8x32xi32>
      %broadcast_in_dim3A_713 = vector.shape_cast %broadcast_in_dim3A_699 : vector<8x1xf32> to vector<8x1xf32>
      %broadcast_in_dim3A_714 = vector.broadcast %broadcast_in_dim3A_713 : vector<8x1xf32> to vector<8x32xf32>
      %select_n3A_715 = arith.select %eq3A_709, %broadcast_in_dim3A_714, %scan3A_332 : vector<8x32xi1>, vector<8x32xf32>
      %eq3A_716 = vector.broadcast %broadcast_in_dim3A_707 : vector<8x1xi32> to vector<8x4096xi32>
      %eq3A_717 = arith.cmpi eq, %iota3A, %eq3A_716 : vector<8x4096xi32>
      %jit3A_718 = arith.constant 0x7F800000 : f32
      %broadcast_in_dim3A_719 = vector.broadcast %jit3A_718 : f32 to vector<8x4096xf32>
      %select_n3A_720 = arith.select %eq3A_717, %broadcast_in_dim3A_719, %get3A_696 : vector<8x4096xi1>, vector<8x4096xf32>
      %swap3A_721 = arith.constant 96 : index
      %swap3A_722 = arith.constant 0 : index
      %swap3A_723 = vector.load %arg4[%swap3A_721, %swap3A_722] : memref<128x4096xf32, #tpu.memory_space<vmem>>, vector<8x4096xf32>
      tpu.vector_store %arg4[%swap3A_721, %swap3A_722], %select_n3A_720 {strides = array<i32>} : memref<128x4096xf32, #tpu.memory_space<vmem>>, vector<8x4096xf32>,
      %get3A_724 = arith.constant 104 : index
      %get3A_725 = arith.constant 0 : index
      %get3A_726 = vector.load %arg4[%get3A_724, %get3A_725] : memref<128x4096xf32, #tpu.memory_space<vmem>>, vector<8x4096xf32>
      %reduce_min3A_727 = arith.constant dense<0x7F800000> : vector<8xf32>
      %reduce_min3A_728 = vector.multi_reduction <minimumf>, %get3A_726, %reduce_min3A_727 [1] : vector<8x4096xf32> to vector<8xf32>
      %broadcast_in_dim3A_729 = vector.shape_cast %reduce_min3A_728 : vector<8xf32> to vector<8x1xf32>
      %eq3A_730 = vector.broadcast %broadcast_in_dim3A_729 : vector<8x1xf32> to vector<8x4096xf32>
      %eq3A_731 = arith.cmpf oeq, %get3A_726, %eq3A_730 : vector<8x4096xf32>
      %jit3A_732 = arith.constant 4096 : i32
      %broadcast_in_dim3A_733 = vector.broadcast %jit3A_732 : i32 to vector<8x4096xi32>
      %select_n3A_734 = arith.select %eq3A_731, %iota3A, %broadcast_in_dim3A_733 : vector<8x4096xi1>, vector<8x4096xi32>
      %reduce_min3A_735 = arith.constant dense<2147483647> : vector<8xi32>
      %reduce_min3A_736 = vector.multi_reduction <minsi>, %select_n3A_734, %reduce_min3A_735 [1] : vector<8x4096xi32> to vector<8xi32>
      %broadcast_in_dim3A_737 = vector.shape_cast %reduce_min3A_736 : vector<8xi32> to vector<8x1xi32>
      %eq3A_738 = vector.broadcast %scan3A_303 : i32 to vector<8x32xi32>
      %eq3A_739 = arith.cmpi eq, %iota3A_34, %eq3A_738 : vector<8x32xi32>
      %broadcast_in_dim3A_740 = vector.shape_cast %broadcast_in_dim3A_737 : vector<8x1xi32> to vector<8x1xi32>
      %broadcast_in_dim3A_741 = vector.broadcast %broadcast_in_dim3A_740 : vector<8x1xi32> to vector<8x32xi32>
      %select_n3A_742 = arith.select %eq3A_739, %broadcast_in_dim3A_741, %scan3A_317 : vector<8x32xi1>, vector<8x32xi32>
      %broadcast_in_dim3A_743 = vector.shape_cast %broadcast_in_dim3A_729 : vector<8x1xf32> to vector<8x1xf32>
      %broadcast_in_dim3A_744 = vector.broadcast %broadcast_in_dim3A_743 : vector<8x1xf32> to vector<8x32xf32>
      %select_n3A_745 = arith.select %eq3A_739, %broadcast_in_dim3A_744, %scan3A_333 : vector<8x32xi1>, vector<8x32xf32>
      %eq3A_746 = vector.broadcast %broadcast_in_dim3A_737 : vector<8x1xi32> to vector<8x4096xi32>
      %eq3A_747 = arith.cmpi eq, %iota3A, %eq3A_746 : vector<8x4096xi32>
      %jit3A_748 = arith.constant 0x7F800000 : f32
      %broadcast_in_dim3A_749 = vector.broadcast %jit3A_748 : f32 to vector<8x4096xf32>
      %select_n3A_750 = arith.select %eq3A_747, %broadcast_in_dim3A_749, %get3A_726 : vector<8x4096xi1>, vector<8x4096xf32>
      %swap3A_751 = arith.constant 104 : index
      %swap3A_752 = arith.constant 0 : index
      %swap3A_753 = vector.load %arg4[%swap3A_751, %swap3A_752] : memref<128x4096xf32, #tpu.memory_space<vmem>>, vector<8x4096xf32>
      tpu.vector_store %arg4[%swap3A_751, %swap3A_752], %select_n3A_750 {strides = array<i32>} : memref<128x4096xf32, #tpu.memory_space<vmem>>, vector<8x4096xf32>,
      %get3A_754 = arith.constant 112 : index
      %get3A_755 = arith.constant 0 : index
      %get3A_756 = vector.load %arg4[%get3A_754, %get3A_755] : memref<128x4096xf32, #tpu.memory_space<vmem>>, vector<8x4096xf32>
      %reduce_min3A_757 = arith.constant dense<0x7F800000> : vector<8xf32>
      %reduce_min3A_758 = vector.multi_reduction <minimumf>, %get3A_756, %reduce_min3A_757 [1] : vector<8x4096xf32> to vector<8xf32>
      %broadcast_in_dim3A_759 = vector.shape_cast %reduce_min3A_758 : vector<8xf32> to vector<8x1xf32>
      %eq3A_760 = vector.broadcast %broadcast_in_dim3A_759 : vector<8x1xf32> to vector<8x4096xf32>
      %eq3A_761 = arith.cmpf oeq, %get3A_756, %eq3A_760 : vector<8x4096xf32>
      %jit3A_762 = arith.constant 4096 : i32
      %broadcast_in_dim3A_763 = vector.broadcast %jit3A_762 : i32 to vector<8x4096xi32>
      %select_n3A_764 = arith.select %eq3A_761, %iota3A, %broadcast_in_dim3A_763 : vector<8x4096xi1>, vector<8x4096xi32>
      %reduce_min3A_765 = arith.constant dense<2147483647> : vector<8xi32>
      %reduce_min3A_766 = vector.multi_reduction <minsi>, %select_n3A_764, %reduce_min3A_765 [1] : vector<8x4096xi32> to vector<8xi32>
      %broadcast_in_dim3A_767 = vector.shape_cast %reduce_min3A_766 : vector<8xi32> to vector<8x1xi32>
      %eq3A_768 = vector.broadcast %scan3A_303 : i32 to vector<8x32xi32>
      %eq3A_769 = arith.cmpi eq, %iota3A_34, %eq3A_768 : vector<8x32xi32>
      %broadcast_in_dim3A_770 = vector.shape_cast %broadcast_in_dim3A_767 : vector<8x1xi32> to vector<8x1xi32>
      %broadcast_in_dim3A_771 = vector.broadcast %broadcast_in_dim3A_770 : vector<8x1xi32> to vector<8x32xi32>
      %select_n3A_772 = arith.select %eq3A_769, %broadcast_in_dim3A_771, %scan3A_318 : vector<8x32xi1>, vector<8x32xi32>
      %broadcast_in_dim3A_773 = vector.shape_cast %broadcast_in_dim3A_759 : vector<8x1xf32> to vector<8x1xf32>
      %broadcast_in_dim3A_774 = vector.broadcast %broadcast_in_dim3A_773 : vector<8x1xf32> to vector<8x32xf32>
      %select_n3A_775 = arith.select %eq3A_769, %broadcast_in_dim3A_774, %scan3A_334 : vector<8x32xi1>, vector<8x32xf32>
      %eq3A_776 = vector.broadcast %broadcast_in_dim3A_767 : vector<8x1xi32> to vector<8x4096xi32>
      %eq3A_777 = arith.cmpi eq, %iota3A, %eq3A_776 : vector<8x4096xi32>
      %jit3A_778 = arith.constant 0x7F800000 : f32
      %broadcast_in_dim3A_779 = vector.broadcast %jit3A_778 : f32 to vector<8x4096xf32>
      %select_n3A_780 = arith.select %eq3A_777, %broadcast_in_dim3A_779, %get3A_756 : vector<8x4096xi1>, vector<8x4096xf32>
      %swap3A_781 = arith.constant 112 : index
      %swap3A_782 = arith.constant 0 : index
      %swap3A_783 = vector.load %arg4[%swap3A_781, %swap3A_782] : memref<128x4096xf32, #tpu.memory_space<vmem>>, vector<8x4096xf32>
      tpu.vector_store %arg4[%swap3A_781, %swap3A_782], %select_n3A_780 {strides = array<i32>} : memref<128x4096xf32, #tpu.memory_space<vmem>>, vector<8x4096xf32>,
      %get3A_784 = arith.constant 120 : index
      %get3A_785 = arith.constant 0 : index
      %get3A_786 = vector.load %arg4[%get3A_784, %get3A_785] : memref<128x4096xf32, #tpu.memory_space<vmem>>, vector<8x4096xf32>
      %reduce_min3A_787 = arith.constant dense<0x7F800000> : vector<8xf32>
      %reduce_min3A_788 = vector.multi_reduction <minimumf>, %get3A_786, %reduce_min3A_787 [1] : vector<8x4096xf32> to vector<8xf32>
      %broadcast_in_dim3A_789 = vector.shape_cast %reduce_min3A_788 : vector<8xf32> to vector<8x1xf32>
      %eq3A_790 = vector.broadcast %broadcast_in_dim3A_789 : vector<8x1xf32> to vector<8x4096xf32>
      %eq3A_791 = arith.cmpf oeq, %get3A_786, %eq3A_790 : vector<8x4096xf32>
      %jit3A_792 = arith.constant 4096 : i32
      %broadcast_in_dim3A_793 = vector.broadcast %jit3A_792 : i32 to vector<8x4096xi32>
      %select_n3A_794 = arith.select %eq3A_791, %iota3A, %broadcast_in_dim3A_793 : vector<8x4096xi1>, vector<8x4096xi32>
      %reduce_min3A_795 = arith.constant dense<2147483647> : vector<8xi32>
      %reduce_min3A_796 = vector.multi_reduction <minsi>, %select_n3A_794, %reduce_min3A_795 [1] : vector<8x4096xi32> to vector<8xi32>
      %broadcast_in_dim3A_797 = vector.shape_cast %reduce_min3A_796 : vector<8xi32> to vector<8x1xi32>
      %eq3A_798 = vector.broadcast %scan3A_303 : i32 to vector<8x32xi32>
      %eq3A_799 = arith.cmpi eq, %iota3A_34, %eq3A_798 : vector<8x32xi32>
      %broadcast_in_dim3A_800 = vector.shape_cast %broadcast_in_dim3A_797 : vector<8x1xi32> to vector<8x1xi32>
      %broadcast_in_dim3A_801 = vector.broadcast %broadcast_in_dim3A_800 : vector<8x1xi32> to vector<8x32xi32>
      %select_n3A_802 = arith.select %eq3A_799, %broadcast_in_dim3A_801, %scan3A_319 : vector<8x32xi1>, vector<8x32xi32>
      %broadcast_in_dim3A_803 = vector.shape_cast %broadcast_in_dim3A_789 : vector<8x1xf32> to vector<8x1xf32>
      %broadcast_in_dim3A_804 = vector.broadcast %broadcast_in_dim3A_803 : vector<8x1xf32> to vector<8x32xf32>
      %select_n3A_805 = arith.select %eq3A_799, %broadcast_in_dim3A_804, %scan3A_335 : vector<8x32xi1>, vector<8x32xf32>
      %eq3A_806 = vector.broadcast %broadcast_in_dim3A_797 : vector<8x1xi32> to vector<8x4096xi32>
      %eq3A_807 = arith.cmpi eq, %iota3A, %eq3A_806 : vector<8x4096xi32>
      %jit3A_808 = arith.constant 0x7F800000 : f32
      %broadcast_in_dim3A_809 = vector.broadcast %jit3A_808 : f32 to vector<8x4096xf32>
      %select_n3A_810 = arith.select %eq3A_807, %broadcast_in_dim3A_809, %get3A_786 : vector<8x4096xi1>, vector<8x4096xf32>
      %swap3A_811 = arith.constant 120 : index
      %swap3A_812 = arith.constant 0 : index
      %swap3A_813 = vector.load %arg4[%swap3A_811, %swap3A_812] : memref<128x4096xf32, #tpu.memory_space<vmem>>, vector<8x4096xf32>
      tpu.vector_store %arg4[%swap3A_811, %swap3A_812], %select_n3A_810 {strides = array<i32>} : memref<128x4096xf32, #tpu.memory_space<vmem>>, vector<8x4096xf32>,
      scf.yield %select_n3A_352, %select_n3A_382, %select_n3A_412, %select_n3A_442, %select_n3A_472, %select_n3A_502, %select_n3A_532, %select_n3A_562, %select_n3A_592, %select_n3A_622, %select_n3A_652, %select_n3A_682, %select_n3A_712, %select_n3A_742, %select_n3A_772, %select_n3A_802, %select_n3A_355, %select_n3A_385, %select_n3A_415, %select_n3A_445, %select_n3A_475, %select_n3A_505, %select_n3A_535, %select_n3A_565, %select_n3A_595, %select_n3A_625, %select_n3A_655, %select_n3A_685, %select_n3A_715, %select_n3A_745, %select_n3A_775, %select_n3A_805 : vector<8x32xi32>, vector<8x32xi32>, vector<8x32xi32>, vector<8x32xi32>, vector<8x32xi32>, vector<8x32xi32>, vector<8x32xi32>, vector<8x32xi32>, vector<8x32xi32>, vector<8x32xi32>, vector<8x32xi32>, vector<8x32xi32>, vector<8x32xi32>, vector<8x32xi32>, vector<8x32xi32>, vector<8x32xi32>, vector<8x32xf32>, vector<8x32xf32>, vector<8x32xf32>, vector<8x32xf32>, vector<8x32xf32>, vector<8x32xf32>, vector<8x32xf32>, vector<8x32xf32>, vector<8x32xf32>, vector<8x32xf32>, vector<8x32xf32>, vector<8x32xf32>, vector<8x32xf32>, vector<8x32xf32>, vector<8x32xf32>, vector<8x32xf32>
    }
    %scan3A_43 = arith.constant 32 : i32
    %jit3A_44 = arith.constant 4 : i32
    %div3A = arith.divsi %arg0, %jit3A_44 : i32
    %sign3A = arith.constant 0 : i32
    %sign3A_45 = arith.cmpi sgt, %arg0, %sign3A : i32
    %sign3A_46 = arith.extui %sign3A_45 : i1 to i32
    %sign3A_47 = arith.constant 0 : i32
    %sign3A_48 = arith.cmpi slt, %arg0, %sign3A_47 : i32
    %sign3A_49 = arith.extui %sign3A_48 : i1 to i32
    %sign3A_50 = arith.subi %sign3A_46, %sign3A_49 : i32
    %sign3A_51 = arith.constant 0 : i32
    %sign3A_52 = arith.cmpi sgt, %jit3A_44, %sign3A_51 : i32
    %sign3A_53 = arith.extui %sign3A_52 : i1 to i32
    %sign3A_54 = arith.constant 0 : i32
    %sign3A_55 = arith.cmpi slt, %jit3A_44, %sign3A_54 : i32
    %sign3A_56 = arith.extui %sign3A_55 : i1 to i32
    %sign3A_57 = arith.subi %sign3A_53, %sign3A_56 : i32
    %ne3A = arith.cmpi ne, %sign3A_50, %sign3A_57 : i32
    %rem3A = arith.remsi %arg0, %jit3A_44 : i32
    %ne3A_58 = arith.constant 0 : i32
    %ne3A_59 = arith.cmpi ne, %rem3A, %ne3A_58 : i32
    %and3A = arith.andi %ne3A, %ne3A_59 : i1
    %sub3A = arith.constant 1 : i32
    %sub3A_60 = arith.subi %div3A, %sub3A : i32
    %select_n3A_61 = arith.select %and3A, %sub3A_60, %div3A : i32
    %mul3A_62 = arith.constant 4096 : i32
    %mul3A_63 = arith.muli %select_n3A_61, %mul3A_62 : i32
    %slice3A_64 = vector.extract_strided_slice %scan3A_42#0 {offsets = [0, 0], sizes = [8, 1], strides = [1, 1]} : vector<8x32xi32> to vector<8x1xi32>
    %gt3A = arith.constant 4.000000e-02 : f32
    %gt3A_65 = vector.broadcast %gt3A : f32 to vector<8x32xf32>
    %gt3A_66 = arith.cmpf ogt, %scan3A_42#16, %gt3A_65 : vector<8x32xf32>
    %broadcast_in_dim3A_67 = vector.shape_cast %slice3A_64 : vector<8x1xi32> to vector<8x1xi32>
    %broadcast_in_dim3A_68 = vector.broadcast %broadcast_in_dim3A_67 : vector<8x1xi32> to vector<8x32xi32>
    %select_n3A_69 = arith.select %gt3A_66, %broadcast_in_dim3A_68, %scan3A_42#0 : vector<8x32xi1>, vector<8x32xi32>
    %add3A_70 = vector.broadcast %mul3A_63 : i32 to vector<8x32xi32>
    %add3A_71 = arith.addi %select_n3A_69, %add3A_70 : vector<8x32xi32>
    %swap3A_72 = arith.constant 0 : index
    %swap3A_73 = arith.constant 0 : index
    %swap3A_74 = arith.constant 0 : index
    %swap3A_75 = vector.load %arg3[%swap3A_72, %swap3A_73, %swap3A_74] : memref<1x128x32xi32, #tpu.memory_space<vmem>>, vector<1x8x32xi32>
    %swap3A_76 = vector.shape_cast %swap3A_75 : vector<1x8x32xi32> to vector<8x32xi32>
    %swap3A_77 = vector.shape_cast %add3A_71 : vector<8x32xi32> to vector<1x8x32xi32>
    tpu.vector_store %arg3[%swap3A_72, %swap3A_73, %swap3A_74], %swap3A_77 {strides = array<i32>} : memref<1x128x32xi32, #tpu.memory_space<vmem>>, vector<1x8x32xi32>,
    %slice3A_78 = vector.extract_strided_slice %scan3A_42#1 {offsets = [0, 0], sizes = [8, 1], strides = [1, 1]} : vector<8x32xi32> to vector<8x1xi32>
    %gt3A_79 = arith.constant 4.000000e-02 : f32
    %gt3A_80 = vector.broadcast %gt3A_79 : f32 to vector<8x32xf32>
    %gt3A_81 = arith.cmpf ogt, %scan3A_42#17, %gt3A_80 : vector<8x32xf32>
    %broadcast_in_dim3A_82 = vector.shape_cast %slice3A_78 : vector<8x1xi32> to vector<8x1xi32>
    %broadcast_in_dim3A_83 = vector.broadcast %broadcast_in_dim3A_82 : vector<8x1xi32> to vector<8x32xi32>
    %select_n3A_84 = arith.select %gt3A_81, %broadcast_in_dim3A_83, %scan3A_42#1 : vector<8x32xi1>, vector<8x32xi32>
    %add3A_85 = vector.broadcast %mul3A_63 : i32 to vector<8x32xi32>
    %add3A_86 = arith.addi %select_n3A_84, %add3A_85 : vector<8x32xi32>
    %swap3A_87 = arith.constant 0 : index
    %swap3A_88 = arith.constant 8 : index
    %swap3A_89 = arith.constant 0 : index
    %swap3A_90 = vector.load %arg3[%swap3A_87, %swap3A_88, %swap3A_89] : memref<1x128x32xi32, #tpu.memory_space<vmem>>, vector<1x8x32xi32>
    %swap3A_91 = vector.shape_cast %swap3A_90 : vector<1x8x32xi32> to vector<8x32xi32>
    %swap3A_92 = vector.shape_cast %add3A_86 : vector<8x32xi32> to vector<1x8x32xi32>
    tpu.vector_store %arg3[%swap3A_87, %swap3A_88, %swap3A_89], %swap3A_92 {strides = array<i32>} : memref<1x128x32xi32, #tpu.memory_space<vmem>>, vector<1x8x32xi32>,
    %slice3A_93 = vector.extract_strided_slice %scan3A_42#2 {offsets = [0, 0], sizes = [8, 1], strides = [1, 1]} : vector<8x32xi32> to vector<8x1xi32>
    %gt3A_94 = arith.constant 4.000000e-02 : f32
    %gt3A_95 = vector.broadcast %gt3A_94 : f32 to vector<8x32xf32>
    %gt3A_96 = arith.cmpf ogt, %scan3A_42#18, %gt3A_95 : vector<8x32xf32>
    %broadcast_in_dim3A_97 = vector.shape_cast %slice3A_93 : vector<8x1xi32> to vector<8x1xi32>
    %broadcast_in_dim3A_98 = vector.broadcast %broadcast_in_dim3A_97 : vector<8x1xi32> to vector<8x32xi32>
    %select_n3A_99 = arith.select %gt3A_96, %broadcast_in_dim3A_98, %scan3A_42#2 : vector<8x32xi1>, vector<8x32xi32>
    %add3A_100 = vector.broadcast %mul3A_63 : i32 to vector<8x32xi32>
    %add3A_101 = arith.addi %select_n3A_99, %add3A_100 : vector<8x32xi32>
    %swap3A_102 = arith.constant 0 : index
    %swap3A_103 = arith.constant 16 : index
    %swap3A_104 = arith.constant 0 : index
    %swap3A_105 = vector.load %arg3[%swap3A_102, %swap3A_103, %swap3A_104] : memref<1x128x32xi32, #tpu.memory_space<vmem>>, vector<1x8x32xi32>
    %swap3A_106 = vector.shape_cast %swap3A_105 : vector<1x8x32xi32> to vector<8x32xi32>
    %swap3A_107 = vector.shape_cast %add3A_101 : vector<8x32xi32> to vector<1x8x32xi32>
    tpu.vector_store %arg3[%swap3A_102, %swap3A_103, %swap3A_104], %swap3A_107 {strides = array<i32>} : memref<1x128x32xi32, #tpu.memory_space<vmem>>, vector<1x8x32xi32>,
    %slice3A_108 = vector.extract_strided_slice %scan3A_42#3 {offsets = [0, 0], sizes = [8, 1], strides = [1, 1]} : vector<8x32xi32> to vector<8x1xi32>
    %gt3A_109 = arith.constant 4.000000e-02 : f32
    %gt3A_110 = vector.broadcast %gt3A_109 : f32 to vector<8x32xf32>
    %gt3A_111 = arith.cmpf ogt, %scan3A_42#19, %gt3A_110 : vector<8x32xf32>
    %broadcast_in_dim3A_112 = vector.shape_cast %slice3A_108 : vector<8x1xi32> to vector<8x1xi32>
    %broadcast_in_dim3A_113 = vector.broadcast %broadcast_in_dim3A_112 : vector<8x1xi32> to vector<8x32xi32>
    %select_n3A_114 = arith.select %gt3A_111, %broadcast_in_dim3A_113, %scan3A_42#3 : vector<8x32xi1>, vector<8x32xi32>
    %add3A_115 = vector.broadcast %mul3A_63 : i32 to vector<8x32xi32>
    %add3A_116 = arith.addi %select_n3A_114, %add3A_115 : vector<8x32xi32>
    %swap3A_117 = arith.constant 0 : index
    %swap3A_118 = arith.constant 24 : index
    %swap3A_119 = arith.constant 0 : index
    %swap3A_120 = vector.load %arg3[%swap3A_117, %swap3A_118, %swap3A_119] : memref<1x128x32xi32, #tpu.memory_space<vmem>>, vector<1x8x32xi32>
    %swap3A_121 = vector.shape_cast %swap3A_120 : vector<1x8x32xi32> to vector<8x32xi32>
    %swap3A_122 = vector.shape_cast %add3A_116 : vector<8x32xi32> to vector<1x8x32xi32>
    tpu.vector_store %arg3[%swap3A_117, %swap3A_118, %swap3A_119], %swap3A_122 {strides = array<i32>} : memref<1x128x32xi32, #tpu.memory_space<vmem>>, vector<1x8x32xi32>,
    %slice3A_123 = vector.extract_strided_slice %scan3A_42#4 {offsets = [0, 0], sizes = [8, 1], strides = [1, 1]} : vector<8x32xi32> to vector<8x1xi32>
    %gt3A_124 = arith.constant 4.000000e-02 : f32
    %gt3A_125 = vector.broadcast %gt3A_124 : f32 to vector<8x32xf32>
    %gt3A_126 = arith.cmpf ogt, %scan3A_42#20, %gt3A_125 : vector<8x32xf32>
    %broadcast_in_dim3A_127 = vector.shape_cast %slice3A_123 : vector<8x1xi32> to vector<8x1xi32>
    %broadcast_in_dim3A_128 = vector.broadcast %broadcast_in_dim3A_127 : vector<8x1xi32> to vector<8x32xi32>
    %select_n3A_129 = arith.select %gt3A_126, %broadcast_in_dim3A_128, %scan3A_42#4 : vector<8x32xi1>, vector<8x32xi32>
    %add3A_130 = vector.broadcast %mul3A_63 : i32 to vector<8x32xi32>
    %add3A_131 = arith.addi %select_n3A_129, %add3A_130 : vector<8x32xi32>
    %swap3A_132 = arith.constant 0 : index
    %swap3A_133 = arith.constant 32 : index
    %swap3A_134 = arith.constant 0 : index
    %swap3A_135 = vector.load %arg3[%swap3A_132, %swap3A_133, %swap3A_134] : memref<1x128x32xi32, #tpu.memory_space<vmem>>, vector<1x8x32xi32>
    %swap3A_136 = vector.shape_cast %swap3A_135 : vector<1x8x32xi32> to vector<8x32xi32>
    %swap3A_137 = vector.shape_cast %add3A_131 : vector<8x32xi32> to vector<1x8x32xi32>
    tpu.vector_store %arg3[%swap3A_132, %swap3A_133, %swap3A_134], %swap3A_137 {strides = array<i32>} : memref<1x128x32xi32, #tpu.memory_space<vmem>>, vector<1x8x32xi32>,
    %slice3A_138 = vector.extract_strided_slice %scan3A_42#5 {offsets = [0, 0], sizes = [8, 1], strides = [1, 1]} : vector<8x32xi32> to vector<8x1xi32>
    %gt3A_139 = arith.constant 4.000000e-02 : f32
    %gt3A_140 = vector.broadcast %gt3A_139 : f32 to vector<8x32xf32>
    %gt3A_141 = arith.cmpf ogt, %scan3A_42#21, %gt3A_140 : vector<8x32xf32>
    %broadcast_in_dim3A_142 = vector.shape_cast %slice3A_138 : vector<8x1xi32> to vector<8x1xi32>
    %broadcast_in_dim3A_143 = vector.broadcast %broadcast_in_dim3A_142 : vector<8x1xi32> to vector<8x32xi32>
    %select_n3A_144 = arith.select %gt3A_141, %broadcast_in_dim3A_143, %scan3A_42#5 : vector<8x32xi1>, vector<8x32xi32>
    %add3A_145 = vector.broadcast %mul3A_63 : i32 to vector<8x32xi32>
    %add3A_146 = arith.addi %select_n3A_144, %add3A_145 : vector<8x32xi32>
    %swap3A_147 = arith.constant 0 : index
    %swap3A_148 = arith.constant 40 : index
    %swap3A_149 = arith.constant 0 : index
    %swap3A_150 = vector.load %arg3[%swap3A_147, %swap3A_148, %swap3A_149] : memref<1x128x32xi32, #tpu.memory_space<vmem>>, vector<1x8x32xi32>
    %swap3A_151 = vector.shape_cast %swap3A_150 : vector<1x8x32xi32> to vector<8x32xi32>
    %swap3A_152 = vector.shape_cast %add3A_146 : vector<8x32xi32> to vector<1x8x32xi32>
    tpu.vector_store %arg3[%swap3A_147, %swap3A_148, %swap3A_149], %swap3A_152 {strides = array<i32>} : memref<1x128x32xi32, #tpu.memory_space<vmem>>, vector<1x8x32xi32>,
    %slice3A_153 = vector.extract_strided_slice %scan3A_42#6 {offsets = [0, 0], sizes = [8, 1], strides = [1, 1]} : vector<8x32xi32> to vector<8x1xi32>
    %gt3A_154 = arith.constant 4.000000e-02 : f32
    %gt3A_155 = vector.broadcast %gt3A_154 : f32 to vector<8x32xf32>
    %gt3A_156 = arith.cmpf ogt, %scan3A_42#22, %gt3A_155 : vector<8x32xf32>
    %broadcast_in_dim3A_157 = vector.shape_cast %slice3A_153 : vector<8x1xi32> to vector<8x1xi32>
    %broadcast_in_dim3A_158 = vector.broadcast %broadcast_in_dim3A_157 : vector<8x1xi32> to vector<8x32xi32>
    %select_n3A_159 = arith.select %gt3A_156, %broadcast_in_dim3A_158, %scan3A_42#6 : vector<8x32xi1>, vector<8x32xi32>
    %add3A_160 = vector.broadcast %mul3A_63 : i32 to vector<8x32xi32>
    %add3A_161 = arith.addi %select_n3A_159, %add3A_160 : vector<8x32xi32>
    %swap3A_162 = arith.constant 0 : index
    %swap3A_163 = arith.constant 48 : index
    %swap3A_164 = arith.constant 0 : index
    %swap3A_165 = vector.load %arg3[%swap3A_162, %swap3A_163, %swap3A_164] : memref<1x128x32xi32, #tpu.memory_space<vmem>>, vector<1x8x32xi32>
    %swap3A_166 = vector.shape_cast %swap3A_165 : vector<1x8x32xi32> to vector<8x32xi32>
    %swap3A_167 = vector.shape_cast %add3A_161 : vector<8x32xi32> to vector<1x8x32xi32>
    tpu.vector_store %arg3[%swap3A_162, %swap3A_163, %swap3A_164], %swap3A_167 {strides = array<i32>} : memref<1x128x32xi32, #tpu.memory_space<vmem>>, vector<1x8x32xi32>,
    %slice3A_168 = vector.extract_strided_slice %scan3A_42#7 {offsets = [0, 0], sizes = [8, 1], strides = [1, 1]} : vector<8x32xi32> to vector<8x1xi32>
    %gt3A_169 = arith.constant 4.000000e-02 : f32
    %gt3A_170 = vector.broadcast %gt3A_169 : f32 to vector<8x32xf32>
    %gt3A_171 = arith.cmpf ogt, %scan3A_42#23, %gt3A_170 : vector<8x32xf32>
    %broadcast_in_dim3A_172 = vector.shape_cast %slice3A_168 : vector<8x1xi32> to vector<8x1xi32>
    %broadcast_in_dim3A_173 = vector.broadcast %broadcast_in_dim3A_172 : vector<8x1xi32> to vector<8x32xi32>
    %select_n3A_174 = arith.select %gt3A_171, %broadcast_in_dim3A_173, %scan3A_42#7 : vector<8x32xi1>, vector<8x32xi32>
    %add3A_175 = vector.broadcast %mul3A_63 : i32 to vector<8x32xi32>
    %add3A_176 = arith.addi %select_n3A_174, %add3A_175 : vector<8x32xi32>
    %swap3A_177 = arith.constant 0 : index
    %swap3A_178 = arith.constant 56 : index
    %swap3A_179 = arith.constant 0 : index
    %swap3A_180 = vector.load %arg3[%swap3A_177, %swap3A_178, %swap3A_179] : memref<1x128x32xi32, #tpu.memory_space<vmem>>, vector<1x8x32xi32>
    %swap3A_181 = vector.shape_cast %swap3A_180 : vector<1x8x32xi32> to vector<8x32xi32>
    %swap3A_182 = vector.shape_cast %add3A_176 : vector<8x32xi32> to vector<1x8x32xi32>
    tpu.vector_store %arg3[%swap3A_177, %swap3A_178, %swap3A_179], %swap3A_182 {strides = array<i32>} : memref<1x128x32xi32, #tpu.memory_space<vmem>>, vector<1x8x32xi32>,
    %slice3A_183 = vector.extract_strided_slice %scan3A_42#8 {offsets = [0, 0], sizes = [8, 1], strides = [1, 1]} : vector<8x32xi32> to vector<8x1xi32>
    %gt3A_184 = arith.constant 4.000000e-02 : f32
    %gt3A_185 = vector.broadcast %gt3A_184 : f32 to vector<8x32xf32>
    %gt3A_186 = arith.cmpf ogt, %scan3A_42#24, %gt3A_185 : vector<8x32xf32>
    %broadcast_in_dim3A_187 = vector.shape_cast %slice3A_183 : vector<8x1xi32> to vector<8x1xi32>
    %broadcast_in_dim3A_188 = vector.broadcast %broadcast_in_dim3A_187 : vector<8x1xi32> to vector<8x32xi32>
    %select_n3A_189 = arith.select %gt3A_186, %broadcast_in_dim3A_188, %scan3A_42#8 : vector<8x32xi1>, vector<8x32xi32>
    %add3A_190 = vector.broadcast %mul3A_63 : i32 to vector<8x32xi32>
    %add3A_191 = arith.addi %select_n3A_189, %add3A_190 : vector<8x32xi32>
    %swap3A_192 = arith.constant 0 : index
    %swap3A_193 = arith.constant 64 : index
    %swap3A_194 = arith.constant 0 : index
    %swap3A_195 = vector.load %arg3[%swap3A_192, %swap3A_193, %swap3A_194] : memref<1x128x32xi32, #tpu.memory_space<vmem>>, vector<1x8x32xi32>
    %swap3A_196 = vector.shape_cast %swap3A_195 : vector<1x8x32xi32> to vector<8x32xi32>
    %swap3A_197 = vector.shape_cast %add3A_191 : vector<8x32xi32> to vector<1x8x32xi32>
    tpu.vector_store %arg3[%swap3A_192, %swap3A_193, %swap3A_194], %swap3A_197 {strides = array<i32>} : memref<1x128x32xi32, #tpu.memory_space<vmem>>, vector<1x8x32xi32>,
    %slice3A_198 = vector.extract_strided_slice %scan3A_42#9 {offsets = [0, 0], sizes = [8, 1], strides = [1, 1]} : vector<8x32xi32> to vector<8x1xi32>
    %gt3A_199 = arith.constant 4.000000e-02 : f32
    %gt3A_200 = vector.broadcast %gt3A_199 : f32 to vector<8x32xf32>
    %gt3A_201 = arith.cmpf ogt, %scan3A_42#25, %gt3A_200 : vector<8x32xf32>
    %broadcast_in_dim3A_202 = vector.shape_cast %slice3A_198 : vector<8x1xi32> to vector<8x1xi32>
    %broadcast_in_dim3A_203 = vector.broadcast %broadcast_in_dim3A_202 : vector<8x1xi32> to vector<8x32xi32>
    %select_n3A_204 = arith.select %gt3A_201, %broadcast_in_dim3A_203, %scan3A_42#9 : vector<8x32xi1>, vector<8x32xi32>
    %add3A_205 = vector.broadcast %mul3A_63 : i32 to vector<8x32xi32>
    %add3A_206 = arith.addi %select_n3A_204, %add3A_205 : vector<8x32xi32>
    %swap3A_207 = arith.constant 0 : index
    %swap3A_208 = arith.constant 72 : index
    %swap3A_209 = arith.constant 0 : index
    %swap3A_210 = vector.load %arg3[%swap3A_207, %swap3A_208, %swap3A_209] : memref<1x128x32xi32, #tpu.memory_space<vmem>>, vector<1x8x32xi32>
    %swap3A_211 = vector.shape_cast %swap3A_210 : vector<1x8x32xi32> to vector<8x32xi32>
    %swap3A_212 = vector.shape_cast %add3A_206 : vector<8x32xi32> to vector<1x8x32xi32>
    tpu.vector_store %arg3[%swap3A_207, %swap3A_208, %swap3A_209], %swap3A_212 {strides = array<i32>} : memref<1x128x32xi32, #tpu.memory_space<vmem>>, vector<1x8x32xi32>,
    %slice3A_213 = vector.extract_strided_slice %scan3A_42#10 {offsets = [0, 0], sizes = [8, 1], strides = [1, 1]} : vector<8x32xi32> to vector<8x1xi32>
    %gt3A_214 = arith.constant 4.000000e-02 : f32
    %gt3A_215 = vector.broadcast %gt3A_214 : f32 to vector<8x32xf32>
    %gt3A_216 = arith.cmpf ogt, %scan3A_42#26, %gt3A_215 : vector<8x32xf32>
    %broadcast_in_dim3A_217 = vector.shape_cast %slice3A_213 : vector<8x1xi32> to vector<8x1xi32>
    %broadcast_in_dim3A_218 = vector.broadcast %broadcast_in_dim3A_217 : vector<8x1xi32> to vector<8x32xi32>
    %select_n3A_219 = arith.select %gt3A_216, %broadcast_in_dim3A_218, %scan3A_42#10 : vector<8x32xi1>, vector<8x32xi32>
    %add3A_220 = vector.broadcast %mul3A_63 : i32 to vector<8x32xi32>
    %add3A_221 = arith.addi %select_n3A_219, %add3A_220 : vector<8x32xi32>
    %swap3A_222 = arith.constant 0 : index
    %swap3A_223 = arith.constant 80 : index
    %swap3A_224 = arith.constant 0 : index
    %swap3A_225 = vector.load %arg3[%swap3A_222, %swap3A_223, %swap3A_224] : memref<1x128x32xi32, #tpu.memory_space<vmem>>, vector<1x8x32xi32>
    %swap3A_226 = vector.shape_cast %swap3A_225 : vector<1x8x32xi32> to vector<8x32xi32>
    %swap3A_227 = vector.shape_cast %add3A_221 : vector<8x32xi32> to vector<1x8x32xi32>
    tpu.vector_store %arg3[%swap3A_222, %swap3A_223, %swap3A_224], %swap3A_227 {strides = array<i32>} : memref<1x128x32xi32, #tpu.memory_space<vmem>>, vector<1x8x32xi32>,
    %slice3A_228 = vector.extract_strided_slice %scan3A_42#11 {offsets = [0, 0], sizes = [8, 1], strides = [1, 1]} : vector<8x32xi32> to vector<8x1xi32>
    %gt3A_229 = arith.constant 4.000000e-02 : f32
    %gt3A_230 = vector.broadcast %gt3A_229 : f32 to vector<8x32xf32>
    %gt3A_231 = arith.cmpf ogt, %scan3A_42#27, %gt3A_230 : vector<8x32xf32>
    %broadcast_in_dim3A_232 = vector.shape_cast %slice3A_228 : vector<8x1xi32> to vector<8x1xi32>
    %broadcast_in_dim3A_233 = vector.broadcast %broadcast_in_dim3A_232 : vector<8x1xi32> to vector<8x32xi32>
    %select_n3A_234 = arith.select %gt3A_231, %broadcast_in_dim3A_233, %scan3A_42#11 : vector<8x32xi1>, vector<8x32xi32>
    %add3A_235 = vector.broadcast %mul3A_63 : i32 to vector<8x32xi32>
    %add3A_236 = arith.addi %select_n3A_234, %add3A_235 : vector<8x32xi32>
    %swap3A_237 = arith.constant 0 : index
    %swap3A_238 = arith.constant 88 : index
    %swap3A_239 = arith.constant 0 : index
    %swap3A_240 = vector.load %arg3[%swap3A_237, %swap3A_238, %swap3A_239] : memref<1x128x32xi32, #tpu.memory_space<vmem>>, vector<1x8x32xi32>
    %swap3A_241 = vector.shape_cast %swap3A_240 : vector<1x8x32xi32> to vector<8x32xi32>
    %swap3A_242 = vector.shape_cast %add3A_236 : vector<8x32xi32> to vector<1x8x32xi32>
    tpu.vector_store %arg3[%swap3A_237, %swap3A_238, %swap3A_239], %swap3A_242 {strides = array<i32>} : memref<1x128x32xi32, #tpu.memory_space<vmem>>, vector<1x8x32xi32>,
    %slice3A_243 = vector.extract_strided_slice %scan3A_42#12 {offsets = [0, 0], sizes = [8, 1], strides = [1, 1]} : vector<8x32xi32> to vector<8x1xi32>
    %gt3A_244 = arith.constant 4.000000e-02 : f32
    %gt3A_245 = vector.broadcast %gt3A_244 : f32 to vector<8x32xf32>
    %gt3A_246 = arith.cmpf ogt, %scan3A_42#28, %gt3A_245 : vector<8x32xf32>
    %broadcast_in_dim3A_247 = vector.shape_cast %slice3A_243 : vector<8x1xi32> to vector<8x1xi32>
    %broadcast_in_dim3A_248 = vector.broadcast %broadcast_in_dim3A_247 : vector<8x1xi32> to vector<8x32xi32>
    %select_n3A_249 = arith.select %gt3A_246, %broadcast_in_dim3A_248, %scan3A_42#12 : vector<8x32xi1>, vector<8x32xi32>
    %add3A_250 = vector.broadcast %mul3A_63 : i32 to vector<8x32xi32>
    %add3A_251 = arith.addi %select_n3A_249, %add3A_250 : vector<8x32xi32>
    %swap3A_252 = arith.constant 0 : index
    %swap3A_253 = arith.constant 96 : index
    %swap3A_254 = arith.constant 0 : index
    %swap3A_255 = vector.load %arg3[%swap3A_252, %swap3A_253, %swap3A_254] : memref<1x128x32xi32, #tpu.memory_space<vmem>>, vector<1x8x32xi32>
    %swap3A_256 = vector.shape_cast %swap3A_255 : vector<1x8x32xi32> to vector<8x32xi32>
    %swap3A_257 = vector.shape_cast %add3A_251 : vector<8x32xi32> to vector<1x8x32xi32>
    tpu.vector_store %arg3[%swap3A_252, %swap3A_253, %swap3A_254], %swap3A_257 {strides = array<i32>} : memref<1x128x32xi32, #tpu.memory_space<vmem>>, vector<1x8x32xi32>,
    %slice3A_258 = vector.extract_strided_slice %scan3A_42#13 {offsets = [0, 0], sizes = [8, 1], strides = [1, 1]} : vector<8x32xi32> to vector<8x1xi32>
    %gt3A_259 = arith.constant 4.000000e-02 : f32
    %gt3A_260 = vector.broadcast %gt3A_259 : f32 to vector<8x32xf32>
    %gt3A_261 = arith.cmpf ogt, %scan3A_42#29, %gt3A_260 : vector<8x32xf32>
    %broadcast_in_dim3A_262 = vector.shape_cast %slice3A_258 : vector<8x1xi32> to vector<8x1xi32>
    %broadcast_in_dim3A_263 = vector.broadcast %broadcast_in_dim3A_262 : vector<8x1xi32> to vector<8x32xi32>
    %select_n3A_264 = arith.select %gt3A_261, %broadcast_in_dim3A_263, %scan3A_42#13 : vector<8x32xi1>, vector<8x32xi32>
    %add3A_265 = vector.broadcast %mul3A_63 : i32 to vector<8x32xi32>
    %add3A_266 = arith.addi %select_n3A_264, %add3A_265 : vector<8x32xi32>
    %swap3A_267 = arith.constant 0 : index
    %swap3A_268 = arith.constant 104 : index
    %swap3A_269 = arith.constant 0 : index
    %swap3A_270 = vector.load %arg3[%swap3A_267, %swap3A_268, %swap3A_269] : memref<1x128x32xi32, #tpu.memory_space<vmem>>, vector<1x8x32xi32>
    %swap3A_271 = vector.shape_cast %swap3A_270 : vector<1x8x32xi32> to vector<8x32xi32>
    %swap3A_272 = vector.shape_cast %add3A_266 : vector<8x32xi32> to vector<1x8x32xi32>
    tpu.vector_store %arg3[%swap3A_267, %swap3A_268, %swap3A_269], %swap3A_272 {strides = array<i32>} : memref<1x128x32xi32, #tpu.memory_space<vmem>>, vector<1x8x32xi32>,
    %slice3A_273 = vector.extract_strided_slice %scan3A_42#14 {offsets = [0, 0], sizes = [8, 1], strides = [1, 1]} : vector<8x32xi32> to vector<8x1xi32>
    %gt3A_274 = arith.constant 4.000000e-02 : f32
    %gt3A_275 = vector.broadcast %gt3A_274 : f32 to vector<8x32xf32>
    %gt3A_276 = arith.cmpf ogt, %scan3A_42#30, %gt3A_275 : vector<8x32xf32>
    %broadcast_in_dim3A_277 = vector.shape_cast %slice3A_273 : vector<8x1xi32> to vector<8x1xi32>
    %broadcast_in_dim3A_278 = vector.broadcast %broadcast_in_dim3A_277 : vector<8x1xi32> to vector<8x32xi32>
    %select_n3A_279 = arith.select %gt3A_276, %broadcast_in_dim3A_278, %scan3A_42#14 : vector<8x32xi1>, vector<8x32xi32>
    %add3A_280 = vector.broadcast %mul3A_63 : i32 to vector<8x32xi32>
    %add3A_281 = arith.addi %select_n3A_279, %add3A_280 : vector<8x32xi32>
    %swap3A_282 = arith.constant 0 : index
    %swap3A_283 = arith.constant 112 : index
    %swap3A_284 = arith.constant 0 : index
    %swap3A_285 = vector.load %arg3[%swap3A_282, %swap3A_283, %swap3A_284] : memref<1x128x32xi32, #tpu.memory_space<vmem>>, vector<1x8x32xi32>
    %swap3A_286 = vector.shape_cast %swap3A_285 : vector<1x8x32xi32> to vector<8x32xi32>
    %swap3A_287 = vector.shape_cast %add3A_281 : vector<8x32xi32> to vector<1x8x32xi32>
    tpu.vector_store %arg3[%swap3A_282, %swap3A_283, %swap3A_284], %swap3A_287 {strides = array<i32>} : memref<1x128x32xi32, #tpu.memory_space<vmem>>, vector<1x8x32xi32>,
    %slice3A_288 = vector.extract_strided_slice %scan3A_42#15 {offsets = [0, 0], sizes = [8, 1], strides = [1, 1]} : vector<8x32xi32> to vector<8x1xi32>
    %gt3A_289 = arith.constant 4.000000e-02 : f32
    %gt3A_290 = vector.broadcast %gt3A_289 : f32 to vector<8x32xf32>
    %gt3A_291 = arith.cmpf ogt, %scan3A_42#31, %gt3A_290 : vector<8x32xf32>
    %broadcast_in_dim3A_292 = vector.shape_cast %slice3A_288 : vector<8x1xi32> to vector<8x1xi32>
    %broadcast_in_dim3A_293 = vector.broadcast %broadcast_in_dim3A_292 : vector<8x1xi32> to vector<8x32xi32>
    %select_n3A_294 = arith.select %gt3A_291, %broadcast_in_dim3A_293, %scan3A_42#15 : vector<8x32xi1>, vector<8x32xi32>
    %add3A_295 = vector.broadcast %mul3A_63 : i32 to vector<8x32xi32>
    %add3A_296 = arith.addi %select_n3A_294, %add3A_295 : vector<8x32xi32>
    %swap3A_297 = arith.constant 0 : index
    %swap3A_298 = arith.constant 120 : index
    %swap3A_299 = arith.constant 0 : index
    %swap3A_300 = vector.load %arg3[%swap3A_297, %swap3A_298, %swap3A_299] : memref<1x128x32xi32, #tpu.memory_space<vmem>>, vector<1x8x32xi32>
    %swap3A_301 = vector.shape_cast %swap3A_300 : vector<1x8x32xi32> to vector<8x32xi32>
    %swap3A_302 = vector.shape_cast %add3A_296 : vector<8x32xi32> to vector<1x8x32xi32>
    tpu.vector_store %arg3[%swap3A_297, %swap3A_298, %swap3A_299], %swap3A_302 {strides = array<i32>} : memref<1x128x32xi32, #tpu.memory_space<vmem>>, vector<1x8x32xi32>,
    return
  }
  func.func @transform_0(%arg0: i32) -> (i32, i32, i32) {
    %jit3A = arith.constant 4 : i32
    %div3A = arith.divsi %arg0, %jit3A : i32
    %sign3A = arith.constant 0 : i32
    %sign3A_0 = arith.cmpi sgt, %arg0, %sign3A : i32
    %sign3A_1 = arith.extui %sign3A_0 : i1 to i32
    %sign3A_2 = arith.constant 0 : i32
    %sign3A_3 = arith.cmpi slt, %arg0, %sign3A_2 : i32
    %sign3A_4 = arith.extui %sign3A_3 : i1 to i32
    %sign3A_5 = arith.subi %sign3A_1, %sign3A_4 : i32
    %sign3A_6 = arith.constant 0 : i32
    %sign3A_7 = arith.cmpi sgt, %jit3A, %sign3A_6 : i32
    %sign3A_8 = arith.extui %sign3A_7 : i1 to i32
    %sign3A_9 = arith.constant 0 : i32
    %sign3A_10 = arith.cmpi slt, %jit3A, %sign3A_9 : i32
    %sign3A_11 = arith.extui %sign3A_10 : i1 to i32
    %sign3A_12 = arith.subi %sign3A_8, %sign3A_11 : i32
    %ne3A = arith.cmpi ne, %sign3A_5, %sign3A_12 : i32
    %rem3A = arith.remsi %arg0, %jit3A : i32
    %ne3A_13 = arith.constant 0 : i32
    %ne3A_14 = arith.cmpi ne, %rem3A, %ne3A_13 : i32
    %and3A = arith.andi %ne3A, %ne3A_14 : i1
    %sub3A = arith.constant 1 : i32
    %sub3A_15 = arith.subi %div3A, %sub3A : i32
    %select_n3A = arith.select %and3A, %sub3A_15, %div3A : i32
    %jit3A_16 = arith.constant 4 : i32
    %eq3A = arith.constant 0 : i32
    %eq3A_17 = arith.cmpi eq, %jit3A_16, %eq3A : i32
    %jit3A_18 = arith.constant 1 : i32
    %select_n3A_19 = arith.select %eq3A_17, %jit3A_18, %jit3A_16 : i32
    %rem3A_20 = arith.remsi %arg0, %select_n3A_19 : i32
    %ne3A_21 = arith.constant 0 : i32
    %ne3A_22 = arith.cmpi ne, %rem3A_20, %ne3A_21 : i32
    %lt3A = arith.constant 0 : i32
    %lt3A_23 = arith.cmpi slt, %rem3A_20, %lt3A : i32
    %lt3A_24 = arith.constant 0 : i32
    %lt3A_25 = arith.cmpi slt, %select_n3A_19, %lt3A_24 : i32
    %ne3A_26 = arith.xori %lt3A_23, %lt3A_25 : i1
    %and3A_27 = arith.andi %ne3A_26, %ne3A_22 : i1
    %add3A = arith.addi %rem3A_20, %select_n3A_19 : i32
    %select_n3A_28 = arith.select %and3A_27, %add3A, %rem3A_20 : i32
    %c0_i32 = arith.constant 0 : i32
    %c0_i32_29 = arith.constant 0 : i32
    return %select_n3A, %select_n3A_28, %c0_i32 : i32, i32, i32
  }
  func.func @transform_1(%arg0: i32) -> (i32, i32, i32) {
    %jit3A = arith.constant 4 : i32
    %div3A = arith.divsi %arg0, %jit3A : i32
    %sign3A = arith.constant 0 : i32
    %sign3A_0 = arith.cmpi sgt, %arg0, %sign3A : i32
    %sign3A_1 = arith.extui %sign3A_0 : i1 to i32
    %sign3A_2 = arith.constant 0 : i32
    %sign3A_3 = arith.cmpi slt, %arg0, %sign3A_2 : i32
    %sign3A_4 = arith.extui %sign3A_3 : i1 to i32
    %sign3A_5 = arith.subi %sign3A_1, %sign3A_4 : i32
    %sign3A_6 = arith.constant 0 : i32
    %sign3A_7 = arith.cmpi sgt, %jit3A, %sign3A_6 : i32
    %sign3A_8 = arith.extui %sign3A_7 : i1 to i32
    %sign3A_9 = arith.constant 0 : i32
    %sign3A_10 = arith.cmpi slt, %jit3A, %sign3A_9 : i32
    %sign3A_11 = arith.extui %sign3A_10 : i1 to i32
    %sign3A_12 = arith.subi %sign3A_8, %sign3A_11 : i32
    %ne3A = arith.cmpi ne, %sign3A_5, %sign3A_12 : i32
    %rem3A = arith.remsi %arg0, %jit3A : i32
    %ne3A_13 = arith.constant 0 : i32
    %ne3A_14 = arith.cmpi ne, %rem3A, %ne3A_13 : i32
    %and3A = arith.andi %ne3A, %ne3A_14 : i1
    %sub3A = arith.constant 1 : i32
    %sub3A_15 = arith.subi %div3A, %sub3A : i32
    %select_n3A = arith.select %and3A, %sub3A_15, %div3A : i32
    %c0_i32 = arith.constant 0 : i32
    %c0_i32_16 = arith.constant 0 : i32
    %c0_i32_17 = arith.constant 0 : i32
    return %select_n3A, %c0_i32, %c0_i32_16 : i32, i32, i32
  }
  func.func @transform_2(%arg0: i32) -> (i32, i32, i32) {
    %jit3A = arith.constant 4 : i32
    %div3A = arith.divsi %arg0, %jit3A : i32
    %sign3A = arith.constant 0 : i32
    %sign3A_0 = arith.cmpi sgt, %arg0, %sign3A : i32
    %sign3A_1 = arith.extui %sign3A_0 : i1 to i32
    %sign3A_2 = arith.constant 0 : i32
    %sign3A_3 = arith.cmpi slt, %arg0, %sign3A_2 : i32
    %sign3A_4 = arith.extui %sign3A_3 : i1 to i32
    %sign3A_5 = arith.subi %sign3A_1, %sign3A_4 : i32
    %sign3A_6 = arith.constant 0 : i32
    %sign3A_7 = arith.cmpi sgt, %jit3A, %sign3A_6 : i32
    %sign3A_8 = arith.extui %sign3A_7 : i1 to i32
    %sign3A_9 = arith.constant 0 : i32
    %sign3A_10 = arith.cmpi slt, %jit3A, %sign3A_9 : i32
    %sign3A_11 = arith.extui %sign3A_10 : i1 to i32
    %sign3A_12 = arith.subi %sign3A_8, %sign3A_11 : i32
    %ne3A = arith.cmpi ne, %sign3A_5, %sign3A_12 : i32
    %rem3A = arith.remsi %arg0, %jit3A : i32
    %ne3A_13 = arith.constant 0 : i32
    %ne3A_14 = arith.cmpi ne, %rem3A, %ne3A_13 : i32
    %and3A = arith.andi %ne3A, %ne3A_14 : i1
    %sub3A = arith.constant 1 : i32
    %sub3A_15 = arith.subi %div3A, %sub3A : i32
    %select_n3A = arith.select %and3A, %sub3A_15, %div3A : i32
    %jit3A_16 = arith.constant 4 : i32
    %eq3A = arith.constant 0 : i32
    %eq3A_17 = arith.cmpi eq, %jit3A_16, %eq3A : i32
    %jit3A_18 = arith.constant 1 : i32
    %select_n3A_19 = arith.select %eq3A_17, %jit3A_18, %jit3A_16 : i32
    %rem3A_20 = arith.remsi %arg0, %select_n3A_19 : i32
    %ne3A_21 = arith.constant 0 : i32
    %ne3A_22 = arith.cmpi ne, %rem3A_20, %ne3A_21 : i32
    %lt3A = arith.constant 0 : i32
    %lt3A_23 = arith.cmpi slt, %rem3A_20, %lt3A : i32
    %lt3A_24 = arith.constant 0 : i32
    %lt3A_25 = arith.cmpi slt, %select_n3A_19, %lt3A_24 : i32
    %ne3A_26 = arith.xori %lt3A_23, %lt3A_25 : i1
    %and3A_27 = arith.andi %ne3A_26, %ne3A_22 : i1
    %add3A = arith.addi %rem3A_20, %select_n3A_19 : i32
    %select_n3A_28 = arith.select %and3A_27, %add3A, %rem3A_20 : i32
    %c0_i32 = arith.constant 0 : i32
    %c0_i32_29 = arith.constant 0 : i32
    return %select_n3A, %select_n3A_28, %c0_i32 : i32, i32, i32
  }
}

module attributes {stable_mosaic.version = 14 : i64} {
  func.func @_mlp_body(%arg0: i32, %arg1: i32, %arg2: memref<1x128x32x128xf32, #tpu.memory_space<vmem>>, %arg3: memref<1x128x128xf32, #tpu.memory_space<vmem>>, %arg4: memref<128x128xf32, #tpu.memory_space<vmem>>, %arg5: memref<1x128xf32, #tpu.memory_space<vmem>>, %arg6: memref<128x128xf32, #tpu.memory_space<vmem>>, %arg7: memref<1x128xf32, #tpu.memory_space<vmem>>, %arg8: memref<1x128xf32, #tpu.memory_space<vmem>>, %arg9: memref<1x128x128xf32, #tpu.memory_space<vmem>>) attributes {dimension_semantics = [#tpu.dimension_semantics<arbitrary>, #tpu.dimension_semantics<arbitrary>], iteration_bounds = array<i64: 8, 4>, scalar_prefetch = 0 : i64, scratch_operands = 0 : i64, tpu.core_type = #tpu.core_type<tc>, window_params = [{transform_indices = @transform_0, window_bounds = array<i64: 1, 128, 32, 128>}, {transform_indices = @transform_1, window_bounds = array<i64: 1, 128, 128>}, {pipeline_mode = #tpu.pipeline_mode<synchronous>, transform_indices = @transform_2, window_bounds = array<i64: 128, 128>}, {pipeline_mode = #tpu.pipeline_mode<synchronous>, transform_indices = @transform_3, window_bounds = array<i64: 1, 128>}, {pipeline_mode = #tpu.pipeline_mode<synchronous>, transform_indices = @transform_4, window_bounds = array<i64: 128, 128>}, {pipeline_mode = #tpu.pipeline_mode<synchronous>, transform_indices = @transform_5, window_bounds = array<i64: 1, 128>}, {pipeline_mode = #tpu.pipeline_mode<synchronous>, transform_indices = @transform_6, window_bounds = array<i64: 1, 128>}, {transform_indices = @transform_7, window_bounds = array<i64: 1, 128, 128>}]} {
    %get3A = arith.constant 0 : index
    %get3A_0 = arith.constant 0 : index
    %get3A_1 = arith.constant 0 : index
    %get3A_2 = arith.constant 0 : index
    %get3A_3 = vector.load %arg2[%get3A, %get3A_0, %get3A_1, %get3A_2] : memref<1x128x32x128xf32, #tpu.memory_space<vmem>>, vector<1x128x32x128xf32>
    %get3A_4 = vector.shape_cast %get3A_3 : vector<1x128x32x128xf32> to vector<128x32x128xf32>
    %get3A_5 = arith.constant 0 : index
    %get3A_6 = arith.constant 0 : index
    %get3A_7 = arith.constant 0 : index
    %get3A_8 = vector.load %arg3[%get3A_5, %get3A_6, %get3A_7] : memref<1x128x128xf32, #tpu.memory_space<vmem>>, vector<1x128x128xf32>
    %get3A_9 = vector.shape_cast %get3A_8 : vector<1x128x128xf32> to vector<128x128xf32>
    %broadcast_in_dim3A = vector.shape_cast %get3A_9 : vector<128x128xf32> to vector<128x1x128xf32>
    %sub3A = vector.broadcast %broadcast_in_dim3A : vector<128x1x128xf32> to vector<128x32x128xf32>
    %sub3A_10 = arith.subf %get3A_4, %sub3A : vector<128x32x128xf32>
    %reshape3A = vector.shape_cast %sub3A_10 : vector<128x32x128xf32> to vector<4096x128xf32>
    %get3A_11 = arith.constant 0 : index
    %get3A_12 = arith.constant 0 : index
    %get3A_13 = vector.load %arg4[%get3A_11, %get3A_12] : memref<128x128xf32, #tpu.memory_space<vmem>>, vector<128x128xf32>
    %dot_general3A = arith.constant dense<0.000000e+00> : vector<4096x128xf32>
    %dot_general3A_14 = tpu.matmul %reshape3A, %get3A_13, %dot_general3A {dimension_numbers = #tpu.dot_dimension_numbers<[1], [0], [0], [1], [0, 0, 1, 1], [], []>, transpose_lhs_hint = false} : vector<4096x128xf32>, vector<128x128xf32>, vector<4096x128xf32> -> vector<4096x128xf32>
    %get3A_15 = arith.constant 0 : index
    %get3A_16 = arith.constant 0 : index
    %get3A_17 = vector.load %arg5[%get3A_15, %get3A_16] : memref<1x128xf32, #tpu.memory_space<vmem>>, vector<1x128xf32>
    %add3A = vector.broadcast %get3A_17 : vector<1x128xf32> to vector<4096x128xf32>
    %add3A_18 = arith.addf %dot_general3A_14, %add3A : vector<4096x128xf32>
    %max3A = arith.constant 0.000000e+00 : f32
    %max3A_19 = vector.broadcast %max3A : f32 to vector<4096x128xf32>
    %max3A_20 = arith.maximumf %add3A_18, %max3A_19 : vector<4096x128xf32>
    %get3A_21 = arith.constant 0 : index
    %get3A_22 = arith.constant 0 : index
    %get3A_23 = vector.load %arg6[%get3A_21, %get3A_22] : memref<128x128xf32, #tpu.memory_space<vmem>>, vector<128x128xf32>
    %dot_general3A_24 = arith.constant dense<0.000000e+00> : vector<4096x128xf32>
    %dot_general3A_25 = tpu.matmul %max3A_20, %get3A_23, %dot_general3A_24 {dimension_numbers = #tpu.dot_dimension_numbers<[1], [0], [0], [1], [0, 0, 1, 1], [], []>, transpose_lhs_hint = false} : vector<4096x128xf32>, vector<128x128xf32>, vector<4096x128xf32> -> vector<4096x128xf32>
    %get3A_26 = arith.constant 0 : index
    %get3A_27 = arith.constant 0 : index
    %get3A_28 = vector.load %arg7[%get3A_26, %get3A_27] : memref<1x128xf32, #tpu.memory_space<vmem>>, vector<1x128xf32>
    %add3A_29 = vector.broadcast %get3A_28 : vector<1x128xf32> to vector<4096x128xf32>
    %add3A_30 = arith.addf %dot_general3A_25, %add3A_29 : vector<4096x128xf32>
    %max3A_31 = arith.constant 0.000000e+00 : f32
    %max3A_32 = vector.broadcast %max3A_31 : f32 to vector<4096x128xf32>
    %max3A_33 = arith.maximumf %add3A_30, %max3A_32 : vector<4096x128xf32>
    %get3A_34 = arith.constant 0 : index
    %get3A_35 = arith.constant 0 : index
    %get3A_36 = vector.load %arg8[%get3A_34, %get3A_35] : memref<1x128xf32, #tpu.memory_space<vmem>>, vector<1x128xf32>
    %mul3A = vector.broadcast %get3A_36 : vector<1x128xf32> to vector<4096x128xf32>
    %mul3A_37 = arith.mulf %max3A_33, %mul3A : vector<4096x128xf32>
    %reduce_sum3A = arith.constant dense<0.000000e+00> : vector<4096xf32>
    %reduce_sum3A_38 = vector.multi_reduction <add>, %mul3A_37, %reduce_sum3A [1] : vector<4096x128xf32> to vector<4096xf32>
    %reshape3A_39 = vector.shape_cast %reduce_sum3A_38 : vector<4096xf32> to vector<128x32xf32>
    %reduce_max3A = arith.constant dense<0xFF800000> : vector<128xf32>
    %reduce_max3A_40 = vector.multi_reduction <maximumf>, %reshape3A_39, %reduce_max3A [1] : vector<128x32xf32> to vector<128xf32>
    %broadcast_in_dim3A_41 = vector.shape_cast %reduce_max3A_40 : vector<128xf32> to vector<128x1xf32>
    %sub3A_42 = vector.broadcast %broadcast_in_dim3A_41 : vector<128x1xf32> to vector<128x32xf32>
    %sub3A_43 = arith.subf %reshape3A_39, %sub3A_42 : vector<128x32xf32>
    %exp3A = math.exp %sub3A_43 : vector<128x32xf32>
    %reduce_sum3A_44 = arith.constant dense<0.000000e+00> : vector<128xf32>
    %reduce_sum3A_45 = vector.multi_reduction <add>, %exp3A, %reduce_sum3A_44 [1] : vector<128x32xf32> to vector<128xf32>
    %broadcast_in_dim3A_46 = vector.shape_cast %reduce_sum3A_45 : vector<128xf32> to vector<128x1xf32>
    %div3A = vector.broadcast %broadcast_in_dim3A_46 : vector<128x1xf32> to vector<128x32xf32>
    %div3A_47 = arith.divf %exp3A, %div3A : vector<128x32xf32>
    %reshape3A_48 = vector.shape_cast %max3A_33 : vector<4096x128xf32> to vector<128x32x128xf32>
    %broadcast_in_dim3A_49 = vector.shape_cast %div3A_47 : vector<128x32xf32> to vector<128x32x1xf32>
    %mul3A_50 = vector.broadcast %broadcast_in_dim3A_49 : vector<128x32x1xf32> to vector<128x32x128xf32>
    %mul3A_51 = arith.mulf %reshape3A_48, %mul3A_50 : vector<128x32x128xf32>
    %reduce_sum3A_52 = arith.constant dense<0.000000e+00> : vector<128x128xf32>
    %reduce_sum3A_53 = vector.multi_reduction <add>, %mul3A_51, %reduce_sum3A_52 [1] : vector<128x32x128xf32> to vector<128x128xf32>
    %swap3A = arith.constant 0 : index
    %swap3A_54 = arith.constant 0 : index
    %swap3A_55 = arith.constant 0 : index
    %swap3A_56 = vector.load %arg9[%swap3A, %swap3A_54, %swap3A_55] : memref<1x128x128xf32, #tpu.memory_space<vmem>>, vector<1x128x128xf32>
    %swap3A_57 = vector.shape_cast %swap3A_56 : vector<1x128x128xf32> to vector<128x128xf32>
    %swap3A_58 = vector.shape_cast %reduce_sum3A_53 : vector<128x128xf32> to vector<1x128x128xf32>
    tpu.vector_store %arg9[%swap3A, %swap3A_54, %swap3A_55], %swap3A_58 {strides = array<i32>} : memref<1x128x128xf32, #tpu.memory_space<vmem>>, vector<1x128x128xf32>,
    return
  }
  func.func @transform_0(%arg0: i32, %arg1: i32) -> (i32, i32, i32, i32) {
    %c0_i32 = arith.constant 0 : i32
    %c0_i32_0 = arith.constant 0 : i32
    %c0_i32_1 = arith.constant 0 : i32
    return %arg0, %arg1, %c0_i32, %c0_i32_0 : i32, i32, i32, i32
  }
  func.func @transform_1(%arg0: i32, %arg1: i32) -> (i32, i32, i32) {
    %c0_i32 = arith.constant 0 : i32
    %c0_i32_0 = arith.constant 0 : i32
    return %arg0, %arg1, %c0_i32 : i32, i32, i32
  }
  func.func @transform_2(%arg0: i32, %arg1: i32) -> (i32, i32) {
    %c0_i32 = arith.constant 0 : i32
    %c0_i32_0 = arith.constant 0 : i32
    %c0_i32_1 = arith.constant 0 : i32
    return %c0_i32, %c0_i32_0 : i32, i32
  }
  func.func @transform_3(%arg0: i32, %arg1: i32) -> (i32, i32) {
    %c0_i32 = arith.constant 0 : i32
    %c0_i32_0 = arith.constant 0 : i32
    %c0_i32_1 = arith.constant 0 : i32
    return %c0_i32, %c0_i32_0 : i32, i32
  }
  func.func @transform_4(%arg0: i32, %arg1: i32) -> (i32, i32) {
    %c0_i32 = arith.constant 0 : i32
    %c0_i32_0 = arith.constant 0 : i32
    %c0_i32_1 = arith.constant 0 : i32
    return %c0_i32, %c0_i32_0 : i32, i32
  }
  func.func @transform_5(%arg0: i32, %arg1: i32) -> (i32, i32) {
    %c0_i32 = arith.constant 0 : i32
    %c0_i32_0 = arith.constant 0 : i32
    %c0_i32_1 = arith.constant 0 : i32
    return %c0_i32, %c0_i32_0 : i32, i32
  }
  func.func @transform_6(%arg0: i32, %arg1: i32) -> (i32, i32) {
    %c0_i32 = arith.constant 0 : i32
    %c0_i32_0 = arith.constant 0 : i32
    %c0_i32_1 = arith.constant 0 : i32
    return %c0_i32, %c0_i32_0 : i32, i32
  }
  func.func @transform_7(%arg0: i32, %arg1: i32) -> (i32, i32, i32) {
    %c0_i32 = arith.constant 0 : i32
    %c0_i32_0 = arith.constant 0 : i32
    return %arg0, %arg1, %c0_i32 : i32, i32, i32
  }
}

</mosaic_0001>

<sc_bundles>
// kernel: kernel.6.cloned.1.call-start
scs
__scs_entry_jumppad:
0x0: {  	(pc) =	sbr.rel $0x88, $3  }
0x1: {  	(tag) =	ssettag $0x0;
	lr =	simm.s32 $0x1  }
0x2: {  	[smem:$0x3F9A] =	sst lr;
	_ =	strace $0xD0000000  }
0x3: {  	_ = 	snop  }
0x4: {  	_ = 	snop  }
0x5: {  	_ = 	snop  }
0x6: {  	_ = 	snop  }
0x7: {  	_ = 	snop  }
__scs_overlays_trampoline_lowered:
0x8: {  	[smem:$0x3FA9] =	sst s0  }
0x9: {  	[smem:$0x3FAA] =	sst s1  }
0xa: {  	[smem:$0x3FAB] =	sst s2  }
0xb: {  	[smem:$0x3FAC] =	sst s3  }
0xc: {  	[smem:$0x3FAD] =	sst s4  }
0xd: {  	[smem:$0x3FAE] =	sst s5  }
0xe: {  	[smem:$0x3FAF] =	sst s6  }
0xf: {  	[smem:$0x3FB0] =	sst s7  }
0x10: {  	[smem:$0x3FB1] =	sst s8  }
0x11: {  	[smem:$0x3FB2] =	sst s9;
	s0 =	simm.s32 @!p0 $0x0  }
0x12: {  	s1 =	sld [smem:$0x3F98];
	s0 =	simm.s32 @p0 $0x1  }
0x13: {  	[smem:$0x3FB3] =	sst s0;
	s0 =	simm.s32 @!p1 $0x0  }
0x14: {  	s2 =	sld [smem:$0x3F97];
	s0 =	simm.s32 @p1 $0x1  }
0x15: {  	[smem:$0x3FB4] =	sst s0;
	s0 =	simm.s32 @!p2 $0x0  }
0x16: {  	s3 =	sld [smem:$0x3FDB];
	s0 =	simm.s32 @p2 $0x1  }
0x17: {  	s4 =	simm.s32 $0x1BF5;
	[smem:$0x3FB6] =	sst s0  }
0x18: {  	s0 =	sld [smem:$0x3F99];
	_ =	swait.ge [sflag:s4], $0x0  }
0x19: {  	s7 =	sld [smem:$0x3F9A]  }
0x1a: {  	s8 =	sadd.s32 $0xFFFFE003, lr  }
0x1b: {  	s9 =	sadd.s32 $0xFFFFFEF7, lr;
	s5 =	simm.s32 $0xFFFFFFFF;
	p2 =	slt.u32 s8, $0xFFFFF086  }
0x1c: {  	p1 =	slt.u32 s9, $0xF7A;
	s5 =	simm.s32 @!p2 $0x0  }
0x1d: {  	s5 =	simm.s32 @p1 $0x1;
	p0 =	seq.s32 s7, s2  }
0x1e: {  	s7 =	smul.u32 @!p0 $0xF7A, s2;
	p2 =	seq.s32 @!p0 s5, $0x0  }
0x1f: {  	s9 =	smul.u32 $0xF7A, s1;
	s8 =	simm.s32 @!p0 $0x1BF5;
	p2 =	por !p2, p0  }
0x20: {  	[sflag:s8] =	ssyncset.s32 @!p0 $0xFFFFF086;
	s6 =	sadd.s32 @!p0 s3, s7;
	s7 =	simm.s32 @!p0 $0x108  }
0x21: {  	s3 =	sadd.s32 s3, s9;
	s6 =	sadd.s32 @!p0 $0x88, s6;
	s7 =	simm.s32 @p2 $0x1082  }
0x22: {  	[simem:s7], [sflag:s8] =	dma.local @!p0 [hbm:s6], $0xF7A  }
0x23: {  	s9 =	sor.u32 $0xD0000000, s2;
	s6 =	simm.s32 $0x108;
	_ =	swait.ge @!p0 [sflag:s8], $0x0  }
0x24: {  	s3 =	sadd.s32 $0x88, s3;
	s6 =	simm.s32 @!p1 $0x1082;
	[sflag:s4] =	ssyncset.s32 $0xFFFFF086  }
0x25: {  	[simem:s6], [sflag:s4] =	dma.local [hbm:s3], $0xF7A  }
0x26: {  	[smem:$0x3F9A] =	sst s1;
	(tag) =	ssettag s2;
	_ =	strace s9  }
0x27: {  	s1 =	sld [smem:$0x3FAA]  }
0x28: {  	s2 =	sld [smem:$0x3FAB]  }
0x29: {  	s4 =	sld [smem:$0x3FAD]  }
0x2a: {  	p0 =	seq.s32 s5, $0x0;
	s5 =	sld [smem:$0x3FAE]  }
0x2b: {  	s6 =	sld [smem:$0x3FAF]  }
0x2c: {  	s7 =	sld [smem:$0x3FB0]  }
0x2d: {  	s3 =	simm.s32 $0x108;
	s8 =	sld [smem:$0x3FB1]  }
0x2e: {  	s3 =	simm.s32 @!p0 $0x1082;
	s9 =	sld [smem:$0x3FB2]  }
0x2f: {  	lr =	sadd.s32 s0, s3;
	s0 =	sld [smem:$0x3FA9]  }
0x30: {  	s3 =	sld [smem:$0x3FAC]  }
0x31: {  	[smem:$0x3FB5] =	sst s10  }
0x32: {  	s10 =	sld [smem:$0x3FB3];
	_ =	sdelay $0x3  }
0x33: {  	p0 =	seq.s32 s10, $0x1;
	s10 =	sld [smem:$0x3FB5];
	_ =	sdelay $0x3  }
0x34: {  	[smem:$0x3FB5] =	sst s10  }
0x35: {  	s10 =	sld [smem:$0x3FB4];
	_ =	sdelay $0x3  }
0x36: {  	p1 =	seq.s32 s10, $0x1;
	s10 =	sld [smem:$0x3FB5];
	_ =	sdelay $0x3  }
0x37: {  	[smem:$0x3FB5] =	sst s10  }
0x38: {  	s10 =	sld [smem:$0x3FB6]  }
0x39: {  	_ = 	snop;
	(pc) =	sbr.ind lr, $3  }
0x3a: {  	_ = 	snop  }
0x3b: {  	_ = 	snop  }
0x3c: {  	p2 =	seq.s32 s10, $0x1;
	s10 =	sld [smem:$0x3FB5]  }
0x3d: {  	_ =	shalt  }
0x3e: {  	_ =	shalt  }
0x3f: {  	_ =	shalt  }
0x40: {  	_ =	shalt  }
0x41: {  	_ =	shalt  }
0x42: {  	_ =	shalt  }
0x43: {  	_ =	shalt  }
0x44: {  	_ =	shalt  }
0x45: {  	_ =	shalt  }
0x46: {  	_ =	shalt  }
0x47: {  	_ =	shalt  }
0x48: {  	_ =	shalt  }
0x49: {  	_ =	shalt  }
0x4a: {  	_ =	shalt  }
0x4b: {  	_ =	shalt  }
0x4c: {  	_ =	shalt  }
0x4d: {  	_ =	shalt  }
0x4e: {  	_ =	shalt  }
0x4f: {  	_ =	shalt  }
0x50: {  	_ =	shalt  }
0x51: {  	_ =	shalt  }
0x52: {  	_ =	shalt  }
0x53: {  	_ =	shalt  }
0x54: {  	_ =	shalt  }
0x55: {  	_ =	shalt  }
0x56: {  	_ =	shalt  }
0x57: {  	_ =	shalt  }
0x58: {  	_ =	shalt  }
0x59: {  	_ =	shalt  }
0x5a: {  	_ =	shalt  }
0x5b: {  	_ =	shalt  }
0x5c: {  	_ =	shalt  }
0x5d: {  	_ =	shalt  }
0x5e: {  	_ =	shalt  }
0x5f: {  	_ =	shalt  }
0x60: {  	_ =	shalt  }
0x61: {  	_ =	shalt  }
0x62: {  	_ =	shalt  }
0x63: {  	_ =	shalt  }
0x64: {  	_ =	shalt  }
0x65: {  	_ =	shalt  }
0x66: {  	_ =	shalt  }
0x67: {  	_ =	shalt  }
0x68: {  	_ =	shalt  }
0x69: {  	_ =	shalt  }
0x6a: {  	_ =	shalt  }
0x6b: {  	_ =	shalt  }
0x6c: {  	_ =	shalt  }
0x6d: {  	_ =	shalt  }
0x6e: {  	_ =	shalt  }
0x6f: {  	_ =	shalt  }
0x70: {  	_ =	shalt  }
0x71: {  	_ =	shalt  }
0x72: {  	_ =	shalt  }
0x73: {  	_ =	shalt  }
0x74: {  	_ =	shalt  }
0x75: {  	_ =	shalt  }
0x76: {  	_ =	shalt  }
0x77: {  	_ =	shalt  }
0x78: {  	_ =	shalt  }
0x79: {  	_ =	shalt  }
0x7a: {  	_ =	shalt  }
0x7b: {  	_ =	shalt  }
0x7c: {  	_ =	shalt  }
0x7d: {  	_ =	shalt  }
0x7e: {  	_ =	shalt  }
0x7f: {  	_ =	shalt  }
0x80: {  	_ =	shalt  }
0x81: {  	_ =	shalt  }
0x82: {  	_ =	shalt  }
0x83: {  	_ =	shalt  }
0x84: {  	_ =	shalt  }
0x85: {  	_ =	shalt  }
0x86: {  	_ =	shalt  }
0x87: {  	_ =	shalt  }
.Lfunc_end0:
.L_simem_size_0:
called_computation_lowered:
.L_overlay_start_0:
0x88: {  	s2 =	sld [smem:$0x3FD9]  }
0x89: {  	s3 =	sld [smem:$0x3FFE];
	_ =	sdelay $0x1  }
0x8a: {  	s1 =	srdreg.scid  }
0x8b: {  	s0 =	sand.u32 $0x1, s1  }
0x8c: {  	s17 =	sshll.u32 s0, $0xA;
	s2 =	sadd.s32 s3, s2  }
0x8d: {  	s2 =	sadd.s32 s2, s17  }
0x8e: {  	[smem:$0x3FC1] =	sst s2  }
0x8f: {  	_ = 	snop  }
0x90: {  	s2 =	sld [smem:$0x3FD0];
	(tm) =	ssettm $0x1  }
0x91: {  	s18 =	sld [smem:$0x3FFB];
	_ =	sdelay $0x3  }
0x92: {  	_ =	strace s18  }
0x93: {  	s3 =	sld [smem:$0x3FFC];
	_ =	sdelay $0x3  }
0x94: {  	_ =	strace s3  }
0x95: {  	s3 =	sld [smem:$0x3FFD];
	_ =	sdelay $0x3  }
0x96: {  	_ =	strace s3  }
0x97: {  	_ =	strace $0x8FFFFFFF  }
0x98: {  	s19 =	sld [smem:$0x3FDB];
	_ =	sdelay $0x1  }
0x99: {  	s4 =	simm.s32 $_scs_section_size  }
0x9a: {  	s5 =	simm.s32 $_size__tile_overlayer_lowered;
	s6 =	simm.s32 $_tile_overlayer_lowered  }
0x9b: {  	s22 =	simm.s32 $0x1BFF;
	s21 =	sshll.u32 s6, $0x1;
	s3 =	sadd.s32 s4, s19  }
0x9c: {  	s7 =	simm.s32 $0x0;
	s20 =	sshll.u32 s5, $0x1;
	s5 =	sadd.s32 s21, s3  }
0x9d: {  	[timem:s7], [sflag:s22] =	dma.local [hbm:s5], s20  }
0x9e: {  	_ =	swait.ge [sflag:s22], s20  }
0x9f: {  	s4 =	ssub.s32 $0x0, s20;
	[sflag:s22] =	ssyncset.done $0x0  }
0xa0: {  	[sflag:s22] =	ssyncadd.s32 s4;
	_ =	sdelay $0x1  }
0xa1: {  	s23 =	simm.s32 $0x1B8B  }
0xa2: {  	_ =	swait.ge [sflag:s23], $0x1  }
0xa3: {  	[sflag:s23] =	ssyncset.done $0x0  }
0xa4: {  	s25 =	simm.s32 $0x1B8E;
	s24 =	sld [smem:$0x3FFE];
	[sflag:s23] =	ssyncadd.s32 $0xFFFFFFFF  }
0xa5: {  	s26 =	simm.s32 $execute0_lowered;
	[smem:$0x3FD2] =	sst s25  }
0xa6: {  	s5 =	sshll.u32 s26, $0x1;
	_ =	strace $0x80000046;
	[dreg:$0x1] =	wrdreg $0xFFFFFFFF  }
0xa7: {  	s28 =	simm.s32 $_size_execute0_lowered;
	s3 =	sadd.s32 s3, s5;
	[dreg:$0x0] =	wrdreg $0x0  }
0xa8: {  	s5 =	sshll.u32 s28, $0x1;
	[dreg:$0x2] =	wrdreg s3  }
0xa9: {  	[dreg:$0x3] =	wrdreg s5  }
0xaa: {  	[dreg:$0x4] =	wrdreg $0xC0  }
0xab: {  	_ =	task [dreg:s7], $0x5FFFF  }
0xac: {  	[dreg:$0x1] =	wrdreg $0xFFFFFFFF  }
0xad: {  	[dreg:$0x0] =	wrdreg $0x60  }
0xae: {  	[dreg:$0x2] =	wrdreg s24  }
0xaf: {  	[dreg:$0x3] =	wrdreg s2  }
0xb0: {  	[dreg:$0x4] =	wrdreg $0x9  }
0xb1: {  	_ =	task.clear_ibuf [dreg:s7], $0x5FFFF;
	_ =	strace $0x90000046  }
0xb2: {  	s29 =	simm.s32 $0x9;
	_ =	strace $0x80000048  }
0xb3: {  	_ =	swait.ge [sflag:s29], $0x1  }
0xb4: {  	[sflag:s29] =	ssyncadd.s32 $0xFFFFFFFF  }
0xb5: {  	_ =	strace $0x90000048  }
0xb6: {  	_ =	sfence  }
0xb7: {  	s30 =	sld [smem:$0x0];
	_ =	sdelay $0x2  }
0xb8: {  	s31 =	sshll.u32 s1, $0xD;
	s1 =	sshrl.u32 s1, $0x2  }
0xb9: {  	s3 =	sand.u32 $0x4000, s31;
	s1 =	sadd.s32 s1, s30  }
0xba: {  	s0 =	sor.u32 s3, s0;
	s1 =	sshll.u32 s1, $0x11  }
0xbb: {  	s0 =	sor.u32 s1, s0  }
0xbc: {  	s0 =	sadd.s32 $0x8F2B, s0  }
0xbd: {  	[sflag:s0] =	ssyncadd.remote.s32 $0x1  }
0xbe: {  	_ =	sfence.sel $0xFFFF  }
0xbf: {  	[dreg:$0x0] =	wrdreg $0xFFFFFFFF;
	(pc) =	sbr.abs _section_cstart, $3  }
0xc0: {  	[dreg:$0x1] =	wrdreg $0xFFFFFFFF  }
0xc1: {  	_ =	task.clear_ibuf [dreg:s7], $0x2FFFF;
	_ =	strace $0x9FFFFFFF  }
0xc2: {  	(tm) =	ssettm $0x7FFFFFFF  }
0xc3: {  	_ =	shalt  }
tec
execute0_lowered:
.L_overlay_start_1:
0x0: {  	(tag) =	ssettag $0x1  }
0x1: {  	s5 =	rddreg [dreg:$0x0]  }
0x2: {  	s1 =	rddreg [dreg:$0x1]  }
0x3: {  	s0 =	rddreg [dreg:$0x2];
	s2 =	simm.s32 $0x0  }
0x4: {  	s6 =	srdreg.scid;
	s3 =	stileid.u32;
	s17 =	simm.s32 $0x4100  }
0x5: {  	s18 =	simm.s32 $0x1;
	s19 =	simm.s32 $0x2;
	s20 =	simm.s32 $0x0  }
0x6: {  	[smem:$0x7FF] =	sst s2;
	s4 =	sadd.s32 $0x1C00, s5;
	s9 =	sand.u32 $0x1, s6  }
0x7: {  	s7 =	sshll.u32 s3, $0x6;
	s10 =	sadd.s32 $0x81C00, s5;
	s12 =	sshll.u32 s3, $0xA  }
0x8: {  	s14 =	sshll.u32 s3, $0x11;
	_ =	strace $0x80000047;
	s6 =	ssub.s32 $0x2, s9  }
0x9: {  	s8 =	sshll.u32 s9, $0x5;
	s15 =	sadd.s32 s12, s1;
	s16 =	sshll.u32 s9, $0x9  }
0xa: {  	s31 =	sshll.u32 s9, $0x10;
	s28 =	sshrl.u32 s6, $0x1;
	s7 =	sor.u32 s8, s7  }
0xb: {  	s15 =	sadd.s32 s16, s15;
	s12 =	sor.u32 s16, s12;
	s16 =	simm.s32 $0x100  }
0xc: {  	s11 =	ssub.s32 s6, s28;
	s29 =	sshll.u32 s7, $0x4;
	s8 =	sor.u32 $0x1F, s7  }
0xd: {  	s7 =	sshll.u32 s7, $0xB;
	s5 =	sadd.s32 s1, s29;
	s30 =	sshll.u32 s8, $0x4  }
0xe: {  	s13 =	sadd.s32 s7, s10;
	s8 =	sshll.u32 s8, $0xB;
	s9 =	smax.u32 s11, $0x1  }
0xf: {  	s11 =	sadd.s32 $0x20, s15;
	s15 =	simm.s32 $0x80;
	s6 =	sadd.s32 s1, s30  }
0x10: {  	s7 =	sadd.s32 $0xF000, s13;
	s8 =	sadd.s32 s10, s8;
	s10 =	sadd.s32 s14, s10  }
0x11: {  	s13 =	sadd.s32 $0x800, s13;
	s14 =	simm.s32 $0x3;
	s10 =	sadd.s32 s31, s10  }
.LBB2_1:
0x12: {  	[tilespmem:s2], [sflag:$0x3] =	stream.linear.gather [hbm4b:s5+s2], $0x80, $0x38;
	[tilespmem:$0x8100] =	vst v63  }
0x13: {  	s21 =	sadd.s32 $0x0, s12;
	_ =	swait.ge [sflag:s14], $0x80  }
0x14: {  	s22 =	sand.u32 $0x3F80, s21;
	s21 =	sadd.s32 $0x10, s21;
	[sflag:s14] =	ssyncset.done $0x0  }
0x15: {  	s21 =	sand.u32 $0x70, s21;
	s22 =	sadd.s32 s1, s22;
	[sflag:s14] =	ssyncadd.s32 $0xFFFFFF80  }
0x16: {  	[tilespmem:s16], [sflag:$0x1] =	stream.indirect.gather [hbm4b:s4+s15], $0x80, s2, s15, $0xb8;
	[tilespmem:$0x8100] =	vst v63  }
0x17: {  	s21 =	sadd.s32 s21, s22  }
0x18: {  	[tilespmem:s15], [sflag:$0x3] =	stream.linear.gather [hbm4b:s21+s2], $0x80, $0x38;
	[tilespmem:$0x8100] =	vst v63  }
0x19: {  	_ =	swait.ge [sflag:s14], $0x80  }
0x1a: {  	[sflag:s14] =	ssyncset.done $0x0  }
0x1b: {  	[sflag:s14] =	ssyncadd.s32 $0xFFFFFF80  }
0x1c: {  	[tilespmem:s17], [sflag:$0x2] =	stream.indirect.gather [hbm4b:s4+s15], $0x80, s15, s15, $0xb8;
	[tilespmem:$0x8100] =	vst v63  }
0x1d: {  	_ =	swait.ge [sflag:s18], $0x4000  }
0x1e: {  	[sflag:s18] =	ssyncset.done $0x0  }
0x1f: {  	[sflag:s18] =	ssyncadd.s32 $0xFFFFC000  }
0x20: {  	[hbm4b:s10+s2] =	stream.linear.scatter [tilespmem:s16], [sflag:$0x3], $0x4000, $0x38;
	[tilespmem:$0x8100] =	vst v63  }
0x21: {  	_ =	swait.ge [sflag:s14], $0x4000  }
0x22: {  	[sflag:s14] =	ssyncset.done $0x0  }
0x23: {  	s31 =	sadd.s32 $0x0, s11;
	[sflag:s14] =	ssyncadd.s32 $0xFFFFC000  }
0x24: {  	[tilespmem:s2], [sflag:$0x3] =	stream.linear.gather [hbm4b:s31+s2], $0x80, $0x38;
	[tilespmem:$0x8100] =	vst v63  }
0x25: {  	_ =	swait.ge [sflag:s14], $0x80  }
0x26: {  	[sflag:s14] =	ssyncset.done $0x0  }
0x27: {  	[sflag:s14] =	ssyncadd.s32 $0xFFFFFF80  }
0x28: {  	[tilespmem:s16], [sflag:$0x1] =	stream.indirect.gather [hbm4b:s4+s15], $0x80, s2, s15, $0xb8;
	[tilespmem:$0x8100] =	vst v63  }
0x29: {  	s24 =	simm.s32 $0x40;
	_ =	swait.ge [sflag:s19], $0x4000  }
0x2a: {  	s25 =	sadd.s32 $0x20, s12;
	s23 =	sadd.s32 $0x1000, s10;
	[sflag:s19] =	ssyncset.done $0x0  }
0x2b: {  	s26 =	sand.u32 $0x3F80, s25;
	s25 =	sadd.s32 $0x10, s25;
	[sflag:s19] =	ssyncadd.s32 $0xFFFFC000  }
0x2c: {  	[hbm4b:s13+s2] =	stream.linear.scatter [tilespmem:s17], [sflag:$0x3], $0x4000, $0x38;
	[tilespmem:$0x8100] =	vst v63  }
0x2d: {  	s25 =	sand.u32 $0x70, s25;
	s26 =	sadd.s32 s1, s26;
	_ =	swait.ge [sflag:s14], $0x4000  }
0x2e: {  	s22 =	simm.s32 $0x20;
	s21 =	sadd.s32 $0x1000, s13;
	[sflag:s14] =	ssyncset.done $0x0  }
.LBB2_2:
0x2f: {  	s25 =	sadd.s32 s25, s26;
	[sflag:s14] =	ssyncadd.s32 $0xFFFFC000  }
0x30: {  	s26 =	smov.u32 s24;
	s28 =	sadd.s32 $0x20, s24;
	s29 =	smov.u32 s21  }
0x31: {  	[tilespmem:s15], [sflag:$0x3] =	stream.linear.gather [hbm4b:s25+s2], $0x80, $0x38;
	[tilespmem:$0x8100] =	vst v63  }
0x32: {  	p0 =	sne.s32 s24, $0x1C0;
	_ =	swait.ge [sflag:s14], $0x80  }
0x33: {  	[sflag:s14] =	ssyncset.done $0x0  }
0x34: {  	[sflag:s14] =	ssyncadd.s32 $0xFFFFFF80  }
0x35: {  	[tilespmem:s17], [sflag:$0x2] =	stream.indirect.gather [hbm4b:s4+s15], $0x80, s15, s15, $0xb8;
	[tilespmem:$0x8100] =	vst v63  }
0x36: {  	_ =	swait.ge [sflag:s18], $0x4000  }
0x37: {  	[sflag:s18] =	ssyncset.done $0x0  }
0x38: {  	[sflag:s18] =	ssyncadd.s32 $0xFFFFC000  }
0x39: {  	[hbm4b:s23+s2] =	stream.linear.scatter [tilespmem:s16], [sflag:$0x3], $0x4000, $0x38;
	[tilespmem:$0x8100] =	vst v63  }
0x3a: {  	_ =	swait.ge [sflag:s14], $0x4000  }
0x3b: {  	[sflag:s14] =	ssyncset.done $0x0  }
0x3c: {  	s24 =	sadd.s32 s22, s11;
	s22 =	smov.u32 s26;
	[sflag:s14] =	ssyncadd.s32 $0xFFFFC000  }
0x3d: {  	[tilespmem:s2], [sflag:$0x3] =	stream.linear.gather [hbm4b:s24+s2], $0x80, $0x38;
	[tilespmem:$0x8100] =	vst v63  }
0x3e: {  	_ =	swait.ge [sflag:s14], $0x80  }
0x3f: {  	[sflag:s14] =	ssyncset.done $0x0  }
0x40: {  	[sflag:s14] =	ssyncadd.s32 $0xFFFFFF80  }
0x41: {  	[tilespmem:s16], [sflag:$0x1] =	stream.indirect.gather [hbm4b:s4+s15], $0x80, s2, s15, $0xb8;
	[tilespmem:$0x8100] =	vst v63  }
0x42: {  	s21 =	sadd.s32 $0x1000, s21;
	s23 =	sadd.s32 $0x1000, s23;
	_ =	swait.ge [sflag:s19], $0x4000  }
.Ltmp0:
0x43: {  	s24 =	sadd.s32 s22, s12;
	[sflag:s19] =	ssyncset.done $0x0;
	(pc) =	sbr.rel @p0 .LBB2_2-.Ltmp0, $4  }
0x44: {  	s26 =	sand.u32 $0x3F80, s24;
	s24 =	sadd.s32 $0x10, s24;
	[sflag:s19] =	ssyncadd.s32 $0xFFFFC000  }
0x45: {  	[hbm4b:s29+s2] =	stream.linear.scatter [tilespmem:s17], [sflag:$0x3], $0x4000, $0x38;
	[tilespmem:$0x8100] =	vst v63  }
0x46: {  	s25 =	sand.u32 $0x70, s24;
	_ =	swait.ge [sflag:s14], $0x4000  }
0x47: {  	s26 =	sadd.s32 s1, s26;
	s24 =	smov.u32 s28;
	[sflag:s14] =	ssyncset.done $0x0  }
0x48: {  	s24 =	sadd.s32 s25, s26;
	[sflag:s14] =	ssyncadd.s32 $0xFFFFC000  }
0x49: {  	[tilespmem:s15], [sflag:$0x3] =	stream.linear.gather [hbm4b:s24+s2], $0x80, $0x38;
	[tilespmem:$0x8100] =	vst v63  }
0x4a: {  	_ =	swait.ge [sflag:s14], $0x80  }
0x4b: {  	[sflag:s14] =	ssyncset.done $0x0  }
0x4c: {  	[sflag:s14] =	ssyncadd.s32 $0xFFFFFF80  }
0x4d: {  	[tilespmem:s17], [sflag:$0x2] =	stream.indirect.gather [hbm4b:s4+s15], $0x80, s15, s15, $0xb8;
	[tilespmem:$0x8100] =	vst v63  }
0x4e: {  	_ =	swait.ge [sflag:s18], $0x4000  }
0x4f: {  	[sflag:s18] =	ssyncset.done $0x0  }
0x50: {  	[sflag:s18] =	ssyncadd.s32 $0xFFFFC000  }
0x51: {  	[hbm4b:s23+s2] =	stream.linear.scatter [tilespmem:s16], [sflag:$0x3], $0x4000, $0x38;
	[tilespmem:$0x8100] =	vst v63  }
0x52: {  	_ =	swait.ge [sflag:s14], $0x4000  }
0x53: {  	[sflag:s14] =	ssyncset.done $0x0  }
0x54: {  	s22 =	sadd.s32 s22, s11;
	[sflag:s14] =	ssyncadd.s32 $0xFFFFC000  }
0x55: {  	[tilespmem:s2], [sflag:$0x3] =	stream.linear.gather [hbm4b:s22+s2], $0x80, $0x38;
	[tilespmem:$0x8100] =	vst v63  }
0x56: {  	_ =	swait.ge [sflag:s14], $0x80  }
0x57: {  	[sflag:s14] =	ssyncset.done $0x0  }
0x58: {  	[sflag:s14] =	ssyncadd.s32 $0xFFFFFF80  }
0x59: {  	[tilespmem:s16], [sflag:$0x1] =	stream.indirect.gather [hbm4b:s4+s15], $0x80, s2, s15, $0xb8;
	[tilespmem:$0x8100] =	vst v63  }
0x5a: {  	_ =	swait.ge [sflag:s19], $0x4000  }
0x5b: {  	[sflag:s19] =	ssyncset.done $0x0  }
0x5c: {  	[sflag:s19] =	ssyncadd.s32 $0xFFFFC000  }
0x5d: {  	[hbm4b:s21+s2] =	stream.linear.scatter [tilespmem:s17], [sflag:$0x3], $0x4000, $0x38;
	[tilespmem:$0x8100] =	vst v63  }
0x5e: {  	_ =	swait.ge [sflag:s14], $0x4000  }
0x5f: {  	[sflag:s14] =	ssyncset.done $0x0  }
0x60: {  	[sflag:s14] =	ssyncadd.s32 $0xFFFFC000  }
0x61: {  	[tilespmem:s15], [sflag:$0x3] =	stream.linear.gather [hbm4b:s6+s2], $0x80, $0x38;
	[tilespmem:$0x8100] =	vst v63  }
0x62: {  	_ =	swait.ge [sflag:s14], $0x80  }
0x63: {  	[sflag:s14] =	ssyncset.done $0x0  }
0x64: {  	[sflag:s14] =	ssyncadd.s32 $0xFFFFFF80  }
0x65: {  	[tilespmem:s17], [sflag:$0x2] =	stream.indirect.gather [hbm4b:s4+s15], $0x80, s15, s15, $0xb8;
	[tilespmem:$0x8100] =	vst v63  }
0x66: {  	_ =	swait.ge [sflag:s18], $0x4000  }
0x67: {  	[sflag:s18] =	ssyncset.done $0x0  }
0x68: {  	[sflag:s18] =	ssyncadd.s32 $0xFFFFC000  }
0x69: {  	[hbm4b:s7+s2] =	stream.linear.scatter [tilespmem:s16], [sflag:$0x3], $0x4000, $0x38;
	[tilespmem:$0x8100] =	vst v63  }
0x6a: {  	_ =	swait.ge [sflag:s14], $0x4000  }
0x6b: {  	[sflag:s14] =	ssyncset.done $0x0  }
0x6c: {  	[sflag:s14] =	ssyncadd.s32 $0xFFFFC000  }
0x6d: {  	s20 =	sadd.s32 $0x1, s20;
	_ =	swait.ge [sflag:s19], $0x4000  }
0x6e: {  	p0 =	sne.s32 s20, s9;
	[sflag:s19] =	ssyncset.done $0x0  }
.Ltmp1:
0x6f: {  	[sflag:s19] =	ssyncadd.s32 $0xFFFFC000;
	(pc) =	sbr.rel @p0 .LBB2_1-.Ltmp1, $4  }
0x70: {  	[hbm4b:s8+s2] =	stream.linear.scatter [tilespmem:s17], [sflag:$0x3], $0x4000, $0x38;
	[tilespmem:$0x8100] =	vst v63  }
0x71: {  	_ =	swait.ge [sflag:s14], $0x4000  }
0x72: {  	[sflag:s14] =	ssyncset.done $0x0  }
0x73: {  	[sflag:s14] =	ssyncadd.s32 $0xFFFFC000  }
0x74: {  	_ =	sfence.sel $0x180000  }
0x75: {  	[bflag:$0x0] =	sbarrier.arrive $0xFFFF  }
0x76: {  	p0 =	sne.s32 s3, $0x0;
	_ =	strace $0x90000047  }
0x77: {  	s0 =	sadd.s32 @!p0 $0x100000, s0;
	[bflag:$0x2] =	sbarrier.arrive $0xFFFF  }
0x78: {  	[sflag:s0] =	ssyncadd.tile.s32 @!p0 $0x1;
	_ =	shalt  }
.Lfunc_end2:
_tile_overlayer_lowered:
.L_overlay_start_2:
0x79: {  	(tag) =	ssettag $0x2  }
0x7a: {  	s0 =	rddreg [dreg:$0x0];
	s2 =	stileid.u32  }
0x7b: {  	s1 =	rddreg [dreg:$0x1];
	p0 =	sne.s32 s2, $0x0  }
0x7c: {  	s3 =	rddreg [dreg:$0x2];
	[bflag:$0x3] =	sbarrier.arrive $0xFFFF;
	s2 =	simm.s32 @!p0 $0x1C03  }
0x7d: {  	[timem:s3], [sflag:s2] =	dma.local @!p0 [hbm:s0], s1  }
0x7e: {  	s0 =	simm.s32 @!p0 $0x3  }
0x7f: {  	_ =	swait.ge @!p0 [sflag:s0], s1  }
0x80: {  	s1 =	ssub.s32 @!p0 $0x0, s1;
	[sflag:s0] =	ssyncset.done @!p0 $0x0  }
0x81: {  	[sflag:s0] =	ssyncadd.s32 @!p0 s1  }
0x82: {  	[bflag:$0x3] =	sbarrier.arrive $0xFFFF  }
0x83: {  	_ =	shalt  }

</sc_bundles>
